<compile_context>
chip_gen: v7x
topology: tpu7x:2x2x1
jax: 0.10.2.dev20260603
libtpu: 0.0.44.dev20260713+nightly
codegen_flags: <defaults>
</compile_context>

<pallas_src>
import functools

import jax
import jax.numpy as jnp
from jax import lax
from jax.experimental import pallas as pl
from jax.experimental.pallas import tpu as pltpu
from jax.experimental.pallas import tpu_sc as plsc

_EPS = 1e-5


def _dot(a, b):
    return jax.lax.dot_general(a, b, (((1,), (0,)), ((), ())))


def _round_bf16(x):
    v = lax.bitcast_convert_type(x, jnp.uint32)
    odd = lax.shift_right_logical(v, jnp.uint32(16)) & jnp.uint32(1)
    r = (v + jnp.uint32(0x7FFF) + odd) & jnp.uint32(0xFFFF0000)
    return lax.bitcast_convert_type(r, jnp.float32)


def _layer_norm(x, gamma, beta):
    mu = jnp.mean(x, axis=-1, keepdims=True)
    var = jnp.var(x, axis=-1, keepdims=True)
    return (x - mu) / jnp.sqrt(var + _EPS) * gamma + beta


def _encode_argmin_body(f_ref, cb_ref, cbsq_ref, wp1_ref, bp1_ref, gp_ref,
                        bep_ref, wp2_ref, bp2_ref, cbrow_ref, wr1_ref,
                        br1_ref, gr_ref, ber_ref, wr2_ref, br2_ref, idx_ref,
                        dec_ref):
    _decode_body(cbrow_ref, wr1_ref, br1_ref, gr_ref, ber_ref, wr2_ref,
                 br2_ref, dec_ref)
    x = f_ref[...]
    h = jnp.maximum(_dot(x, wp1_ref[...]) + bp1_ref[...], 0.0)
    h = _layer_norm(h, gp_ref[...], bep_ref[...])
    p = _dot(h, wp2_ref[...]) + bp2_ref[...]
    q = (p * 2.0).astype(jnp.bfloat16)
    p_sq = jnp.sum(p * p, axis=1, keepdims=True)
    TB = p.shape[0]
    K = cb_ref.shape[0]
    CW = 2048
    k_iota = lax.broadcasted_iota(jnp.int32, (TB, CW), 1)
    big = jnp.int32(K)
    acc_v = jnp.full((TB, 1), jnp.inf, dtype=jnp.float32)
    acc_i = jnp.zeros((TB, 1), dtype=jnp.int32)
    for c in range(K // CW):
        cb_c = cb_ref[c * CW:(c + 1) * CW, :].astype(jnp.bfloat16)
        scores2 = lax.dot_general(q, cb_c, (((1,), (1,)), ((), ())),
                                  preferred_element_type=jnp.float32)
        d2 = (p_sq - scores2) + cbsq_ref[:, c * CW:(c + 1) * CW]
        xc = d2 * lax.rsqrt(d2)
        m = jnp.min(xc, axis=1, keepdims=True)
        fi = jnp.min(jnp.where(xc == m, k_iota, big), axis=1,
                     keepdims=True) + c * CW
        take = m < acc_v
        acc_v = jnp.where(take, _round_bf16(m), acc_v)
        acc_i = jnp.where(take, fi, acc_i)
    idx_ref[...] = acc_i


def _decode_body(sel_ref, wr1_ref, br1_ref, gr_ref, ber_ref, wr2_ref, br2_ref,
                 out_ref):
    s = sel_ref[...]
    r = jnp.maximum(_dot(s, wr1_ref[...]) + br1_ref[...], 0.0)
    r = _layer_norm(r, gr_ref[...], ber_ref[...])
    out_ref[...] = _dot(r, wr2_ref[...]) + br2_ref[...]


def _sc_gather(table, idx):
    K, C = table.shape
    B = idx.shape[0]
    info = plsc.get_sparse_core_info()
    nw = info.num_cores * info.num_subcores
    b_per_w = B // nw
    chunk = min(128, b_per_w)
    n_chunks = b_per_w // chunk
    mesh = plsc.VectorSubcoreMesh(core_axis_name="c", subcore_axis_name="s")

    @functools.partial(
        pl.kernel, mesh=mesh,
        out_type=jax.ShapeDtypeStruct((B, C), jnp.float32),
        scratch_types=[
            pltpu.VMEM((b_per_w,), jnp.int32),
            pltpu.VMEM((b_per_w, C), jnp.float32),
            pltpu.SemaphoreType.DMA,
        ],
    )
    def gather_k(table_hbm, idx_hbm, out_hbm, idx_v, rows_v, sem):
        wid = lax.axis_index("s") * info.num_cores + lax.axis_index("c")
        base = wid * b_per_w
        pltpu.sync_copy(idx_hbm.at[pl.ds(base, b_per_w)], idx_v)
        copies = [
            pltpu.async_copy(
                table_hbm.at[idx_v.at[pl.ds(j * chunk, chunk)]],
                rows_v.at[pl.ds(j * chunk, chunk)], sem)
            for j in range(n_chunks)
        ]
        for cp in copies:
            cp.wait()
        pltpu.sync_copy(rows_v, out_hbm.at[pl.ds(base, b_per_w)])

    return gather_k(table, idx)


def kernel(features, codebook, W_p1, b_p1, g_p, be_p, W_p2, b_p2,
           W_r1, b_r1, g_r, be_r, W_r2, b_r2):
    B, D = features.shape
    K, C = codebook.shape
    TB = 512
    grid = (B // TB,)

    cb_sq = jnp.sum(codebook ** 2, axis=1)[None, :]

    full = lambda shape: pl.BlockSpec(shape, lambda i: (0,) * len(shape))
    row_block = pl.BlockSpec((TB, D), lambda i: (i, 0))

    idx2, dec_table = pl.pallas_call(
        _encode_argmin_body,
        grid=grid,
        in_specs=[
            row_block,
            full((K, C)),
            full((1, K)),
            full((D, 2 * C)),
            full((2 * C,)),
            full((2 * C,)),
            full((2 * C,)),
            full((2 * C, C)),
            full((C,)),
            pl.BlockSpec((TB, C), lambda i: (i, 0)),
            full((C, 2 * D)),
            full((2 * D,)),
            full((2 * D,)),
            full((2 * D,)),
            full((2 * D, D)),
            full((D,)),
        ],
        out_specs=[
            pl.BlockSpec((TB, 1), lambda i: (i, 0)),
            pl.BlockSpec((TB, D), lambda i: (i, 0)),
        ],
        out_shape=[
            jax.ShapeDtypeStruct((B, 1), jnp.int32),
            jax.ShapeDtypeStruct((K, D), jnp.float32),
        ],
    )(features, codebook, cb_sq, W_p1, b_p1, g_p, be_p, W_p2, b_p2,
      codebook, W_r1, b_r1, g_r, be_r, W_r2, b_r2)

    indices = idx2.reshape(B)
    return _sc_gather(dec_table, indices)

# --- scband reference (transcript-rebuilt; emitter-appended) ---
"""Pipeline reference for scband-simple-memory-block-7610682049118 (READ-ONLY COPY).

The authoritative reference and input builder live on the scoring server;
editing this copy changes nothing except your own understanding.
"""

import jax, jax.numpy as jnp
import numpy as np


def layer_norm(x, gamma, beta, eps=1e-5):
    mu = jnp.mean(x, axis=-1, keepdims=True)
    var = jnp.var(x, axis=-1, keepdims=True)
    return (x - mu) / jnp.sqrt(var + eps) * gamma + beta


def setup_inputs(seed: int = 0):
    key = jax.random.key(seed)
    ks = jax.random.split(key, 8)
    B, D, K, C = 8192, 256, 8192, 32
    inp = {}
    inp["features"] = jax.random.normal(ks[0], (B, D), dtype=jnp.float32)
    # codebook: nn.Parameter(randn(num_blocks, block_size) * 0.1)
    inp["codebook"] = jax.random.normal(ks[1], (K, C), dtype=jnp.float32) * 0.1
    # projection: Linear(D, 2C) -> ReLU -> LayerNorm(2C) -> Dropout(eval: identity) -> Linear(2C, C)
    inp["W_p1"] = jax.random.normal(ks[2], (D, 2 * C), dtype=jnp.float32) * (1.0 / np.sqrt(D))
    inp["b_p1"] = jnp.zeros((2 * C,), dtype=jnp.float32)
    inp["g_p"] = jnp.ones((2 * C,), dtype=jnp.float32)
    inp["be_p"] = jnp.zeros((2 * C,), dtype=jnp.float32)
    inp["W_p2"] = jax.random.normal(ks[3], (2 * C, C), dtype=jnp.float32) * (1.0 / np.sqrt(2 * C))
    inp["b_p2"] = jnp.zeros((C,), dtype=jnp.float32)
    # reconstruction: Linear(C, 2D) -> ReLU -> LayerNorm(2D) -> Dropout(eval: identity) -> Linear(2D, D)
    inp["W_r1"] = jax.random.normal(ks[4], (C, 2 * D), dtype=jnp.float32) * (1.0 / np.sqrt(C))
    inp["b_r1"] = jnp.zeros((2 * D,), dtype=jnp.float32)
    inp["g_r"] = jnp.ones((2 * D,), dtype=jnp.float32)
    inp["be_r"] = jnp.zeros((2 * D,), dtype=jnp.float32)
    inp["W_r2"] = jax.random.normal(ks[5], (2 * D, D), dtype=jnp.float32) * (1.0 / np.sqrt(2 * D))
    inp["b_r2"] = jnp.zeros((D,), dtype=jnp.float32)
    return inp


def reference(features, codebook, W_p1, b_p1, g_p, be_p, W_p2, b_p2,
              W_r1, b_r1, g_r, be_r, W_r2, b_r2):
    # ---- encode ----
    h = jnp.maximum(features @ W_p1 + b_p1, 0.0)
    h = layer_norm(h, g_p, be_p)
    projected = h @ W_p2 + b_p2  # [B, C]
    # torch.cdist(projected.unsqueeze(1), codebook.unsqueeze(0)).squeeze(1) -> [B, K] euclidean
    d2 = (jnp.sum(projected ** 2, axis=1, keepdims=True)
          - 2.0 * projected @ codebook.T
          + jnp.sum(codebook ** 2, axis=1)[None, :])
    distances = jnp.sqrt(jnp.maximum(d2, 0.0))
    indices = jnp.argmin(distances, axis=1)  # [B]
    # ---- decode ----
    selected = jnp.take(codebook, indices, axis=0)  # gather [B, C]
    r = jnp.maximum(selected @ W_r1 + b_r1, 0.0)
    r = layer_norm(r, g_r, be_r)
    reconstructed = r @ W_r2 + b_r2  # [B, D]
    return reconstructed

if __name__ == "__main__":
    import jax
    _d = setup_inputs()
    print(jax.jit(kernel)(*tuple(_d.values())))

</pallas_src>

<mosaic_0001>
#map = affine_map<(d0, d1) -> (0, 0)>
#map1 = affine_map<(d0, d1) -> (0)>
module attributes {stable_mosaic.version = 14 : i64} {
  func.func @gather_k(%arg0: i32, %arg1: i32, %arg2: memref<8192x256xf32, #tpu.memory_space<hbm>>, %arg3: memref<8192xi32, #tpu.memory_space<hbm>>, %arg4: memref<8192x256xf32, #tpu.memory_space<hbm>>, %arg5: memref<256xi32, #tpu.memory_space<vmem>>, %arg6: memref<256x256xf32, #tpu.memory_space<vmem>>, %arg7: memref<!tpu.dma_semaphore, #tpu.memory_space<semaphore_mem>>) attributes {dimension_semantics = [#tpu.dimension_semantics<core_parallel>, #tpu.dimension_semantics<subcore_parallel>], iteration_bounds = array<i64: 2, 16>, scalar_prefetch = 0 : i64, scratch_operands = 3 : i64, tpu.core_type = #tpu.core_type<sc_vector_subcore>, window_params = [{transform_indices = #map}, {transform_indices = #map1}, {transform_indices = #map}]} {
    %mul3A = arith.constant 2 : i32
    %mul3A_0 = arith.muli %arg1, %mul3A : i32
    %add3A = arith.addi %mul3A_0, %arg0 : i32
    %mul3A_1 = arith.constant 256 : i32
    %mul3A_2 = arith.muli %add3A, %mul3A_1 : i32
    "tpu.region"() ({
      %run_scoped3A = tpu.sem_alloc : memref<!tpu.dma_semaphore, #tpu.memory_space<semaphore_mem>>
      %dma_start3A_33 = tpu.memref_slice %arg3[%mul3A_2] : memref<8192xi32, #tpu.memory_space<hbm>> -> memref<256xi32, #tpu.memory_space<hbm>>
      %dma_start3A_34 = tpu.memref_slice %arg3[%mul3A_2] : memref<8192xi32, #tpu.memory_space<hbm>> -> memref<256xi32, #tpu.memory_space<hbm>>
      tpu.enqueue_dma source(%dma_start3A_34 : memref<256xi32, #tpu.memory_space<hbm>>) target(%arg5 : memref<256xi32, #tpu.memory_space<vmem>>) target_semaphore(%run_scoped3A : memref<!tpu.dma_semaphore, #tpu.memory_space<semaphore_mem>>)
      %dma_wait3A_35 = tpu.memref_slice %arg3[%mul3A_2] : memref<8192xi32, #tpu.memory_space<hbm>> -> memref<256xi32, #tpu.memory_space<hbm>>
      %dma_wait3A_36 = tpu.memref_slice %arg3[%mul3A_2] : memref<8192xi32, #tpu.memory_space<hbm>> -> memref<256xi32, #tpu.memory_space<hbm>>
      tpu.wait_dma2 semaphore(%run_scoped3A : memref<!tpu.dma_semaphore, #tpu.memory_space<semaphore_mem>>) src(%dma_wait3A_36 : memref<256xi32, #tpu.memory_space<hbm>>) dst(%arg5 : memref<256xi32, #tpu.memory_space<vmem>>)
      tpu.yield
    }) : () -> ()
    %dma_start3A = arith.constant 0 : i32
    %dma_start3A_3 = arith.constant 0 : i32
    %dma_start3A_4 = tpu.memref_slice %arg6[%dma_start3A, %dma_start3A_3] : memref<256x256xf32, #tpu.memory_space<vmem>> -> memref<128x256xf32, #tpu.memory_space<vmem>>
    %dma_start3A_5 = arith.constant 0 : i32
    %dma_start3A_6 = tpu.memref_slice %arg5[%dma_start3A_5] : memref<256xi32, #tpu.memory_space<vmem>> -> memref<128xi32, #tpu.memory_space<vmem>>
    %dma_start3A_7 = arith.constant 0 : i32
    %dma_start3A_8 = arith.constant 0 : i32
    %dma_start3A_9 = tpu.memref_slice %arg2[%dma_start3A_7, %dma_start3A_8] : memref<8192x256xf32, #tpu.memory_space<hbm>> -> memref<8192x256xf32, #tpu.memory_space<hbm>>
    tpu.enqueue_indirect_dma source(%dma_start3A_9 : memref<8192x256xf32, #tpu.memory_space<hbm>>) target(%dma_start3A_4 : memref<128x256xf32, #tpu.memory_space<vmem>>) offsets(%dma_start3A_6 : memref<128xi32, #tpu.memory_space<vmem>>) semaphore(%arg7 : memref<!tpu.dma_semaphore, #tpu.memory_space<semaphore_mem>>)
    %dma_start3A_10 = arith.constant 128 : i32
    %dma_start3A_11 = arith.constant 0 : i32
    %dma_start3A_12 = tpu.memref_slice %arg6[%dma_start3A_10, %dma_start3A_11] : memref<256x256xf32, #tpu.memory_space<vmem>> -> memref<128x256xf32, #tpu.memory_space<vmem>>
    %dma_start3A_13 = arith.constant 128 : i32
    %dma_start3A_14 = tpu.memref_slice %arg5[%dma_start3A_13] : memref<256xi32, #tpu.memory_space<vmem>> -> memref<128xi32, #tpu.memory_space<vmem>>
    %dma_start3A_15 = arith.constant 0 : i32
    %dma_start3A_16 = arith.constant 0 : i32
    %dma_start3A_17 = tpu.memref_slice %arg2[%dma_start3A_15, %dma_start3A_16] : memref<8192x256xf32, #tpu.memory_space<hbm>> -> memref<8192x256xf32, #tpu.memory_space<hbm>>
    tpu.enqueue_indirect_dma source(%dma_start3A_17 : memref<8192x256xf32, #tpu.memory_space<hbm>>) target(%dma_start3A_12 : memref<128x256xf32, #tpu.memory_space<vmem>>) offsets(%dma_start3A_14 : memref<128xi32, #tpu.memory_space<vmem>>) semaphore(%arg7 : memref<!tpu.dma_semaphore, #tpu.memory_space<semaphore_mem>>)
    %dma_wait3A = arith.constant 0 : i32
    %dma_wait3A_18 = arith.constant 0 : i32
    %dma_wait3A_19 = tpu.memref_slice %arg6[%dma_wait3A, %dma_wait3A_18] : memref<256x256xf32, #tpu.memory_space<vmem>> -> memref<128x256xf32, #tpu.memory_space<vmem>>
    %dma_wait3A_20 = arith.constant 0 : i32
    %dma_wait3A_21 = tpu.memref_slice %arg5[%dma_wait3A_20] : memref<256xi32, #tpu.memory_space<vmem>> -> memref<128xi32, #tpu.memory_space<vmem>>
    %dma_wait3A_22 = arith.constant 0 : i32
    %dma_wait3A_23 = arith.constant 0 : i32
    %dma_wait3A_24 = tpu.memref_slice %arg2[%dma_wait3A_22, %dma_wait3A_23] : memref<8192x256xf32, #tpu.memory_space<hbm>> -> memref<8192x256xf32, #tpu.memory_space<hbm>>
    tpu.wait_indirect_dma semaphore(%arg7 : memref<!tpu.dma_semaphore, #tpu.memory_space<semaphore_mem>>) src(%dma_wait3A_24 : memref<8192x256xf32, #tpu.memory_space<hbm>>) dst(%dma_wait3A_19 : memref<128x256xf32, #tpu.memory_space<vmem>>)
    %dma_wait3A_25 = arith.constant 128 : i32
    %dma_wait3A_26 = arith.constant 0 : i32
    %dma_wait3A_27 = tpu.memref_slice %arg6[%dma_wait3A_25, %dma_wait3A_26] : memref<256x256xf32, #tpu.memory_space<vmem>> -> memref<128x256xf32, #tpu.memory_space<vmem>>
    %dma_wait3A_28 = arith.constant 128 : i32
    %dma_wait3A_29 = tpu.memref_slice %arg5[%dma_wait3A_28] : memref<256xi32, #tpu.memory_space<vmem>> -> memref<128xi32, #tpu.memory_space<vmem>>
    %dma_wait3A_30 = arith.constant 0 : i32
    %dma_wait3A_31 = arith.constant 0 : i32
    %dma_wait3A_32 = tpu.memref_slice %arg2[%dma_wait3A_30, %dma_wait3A_31] : memref<8192x256xf32, #tpu.memory_space<hbm>> -> memref<8192x256xf32, #tpu.memory_space<hbm>>
    tpu.wait_indirect_dma semaphore(%arg7 : memref<!tpu.dma_semaphore, #tpu.memory_space<semaphore_mem>>) src(%dma_wait3A_32 : memref<8192x256xf32, #tpu.memory_space<hbm>>) dst(%dma_wait3A_27 : memref<128x256xf32, #tpu.memory_space<vmem>>)
    "tpu.region"() ({
      %run_scoped3A = tpu.sem_alloc : memref<!tpu.dma_semaphore, #tpu.memory_space<semaphore_mem>>
      %dma_start3A_33 = arith.constant 0 : i32
      %dma_start3A_34 = tpu.memref_slice %arg4[%mul3A_2, %dma_start3A_33] : memref<8192x256xf32, #tpu.memory_space<hbm>> -> memref<256x256xf32, #tpu.memory_space<hbm>>
      %dma_start3A_35 = arith.constant 0 : i32
      %dma_start3A_36 = tpu.memref_slice %arg4[%mul3A_2, %dma_start3A_35] : memref<8192x256xf32, #tpu.memory_space<hbm>> -> memref<256x256xf32, #tpu.memory_space<hbm>>
      tpu.enqueue_dma source(%arg6 : memref<256x256xf32, #tpu.memory_space<vmem>>) target(%dma_start3A_36 : memref<256x256xf32, #tpu.memory_space<hbm>>) target_semaphore(%run_scoped3A : memref<!tpu.dma_semaphore, #tpu.memory_space<semaphore_mem>>)
      %dma_wait3A_37 = arith.constant 0 : i32
      %dma_wait3A_38 = tpu.memref_slice %arg4[%mul3A_2, %dma_wait3A_37] : memref<8192x256xf32, #tpu.memory_space<hbm>> -> memref<256x256xf32, #tpu.memory_space<hbm>>
      %dma_wait3A_39 = arith.constant 0 : i32
      %dma_wait3A_40 = tpu.memref_slice %arg4[%mul3A_2, %dma_wait3A_39] : memref<8192x256xf32, #tpu.memory_space<hbm>> -> memref<256x256xf32, #tpu.memory_space<hbm>>
      tpu.wait_dma2 semaphore(%run_scoped3A : memref<!tpu.dma_semaphore, #tpu.memory_space<semaphore_mem>>) src(%arg6 : memref<256x256xf32, #tpu.memory_space<vmem>>) dst(%dma_wait3A_40 : memref<256x256xf32, #tpu.memory_space<hbm>>)
      tpu.yield
    }) : () -> ()
    return
  }
}

module attributes {stable_mosaic.version = 14 : i64} {
  func.func @_encode_argmin_body(%arg0: i32, %arg1: memref<512x256xf32, #tpu.memory_space<vmem>>, %arg2: memref<8192x32xf32, #tpu.memory_space<vmem>>, %arg3: memref<1x8192xf32, #tpu.memory_space<vmem>>, %arg4: memref<256x64xf32, #tpu.memory_space<vmem>>, %arg5: memref<64xf32, #tpu.memory_space<vmem>>, %arg6: memref<64xf32, #tpu.memory_space<vmem>>, %arg7: memref<64xf32, #tpu.memory_space<vmem>>, %arg8: memref<64x32xf32, #tpu.memory_space<vmem>>, %arg9: memref<32xf32, #tpu.memory_space<vmem>>, %arg10: memref<512x32xf32, #tpu.memory_space<vmem>>, %arg11: memref<32x512xf32, #tpu.memory_space<vmem>>, %arg12: memref<512xf32, #tpu.memory_space<vmem>>, %arg13: memref<512xf32, #tpu.memory_space<vmem>>, %arg14: memref<512xf32, #tpu.memory_space<vmem>>, %arg15: memref<512x256xf32, #tpu.memory_space<vmem>>, %arg16: memref<256xf32, #tpu.memory_space<vmem>>, %arg17: memref<512x1xi32, #tpu.memory_space<vmem>>, %arg18: memref<512x256xf32, #tpu.memory_space<vmem>>) attributes {dimension_semantics = [#tpu.dimension_semantics<arbitrary>], iteration_bounds = array<i64: 16>, scalar_prefetch = 0 : i64, scratch_operands = 0 : i64, tpu.core_type = #tpu.core_type<tc>, window_params = [{transform_indices = @transform_0, window_bounds = array<i64: 512, 256>}, {pipeline_mode = #tpu.pipeline_mode<synchronous>, transform_indices = @transform_1, window_bounds = array<i64: 8192, 32>}, {pipeline_mode = #tpu.pipeline_mode<synchronous>, transform_indices = @transform_2, window_bounds = array<i64: 1, 8192>}, {pipeline_mode = #tpu.pipeline_mode<synchronous>, transform_indices = @transform_3, window_bounds = array<i64: 256, 64>}, {pipeline_mode = #tpu.pipeline_mode<synchronous>, transform_indices = @transform_4, window_bounds = array<i64: 64>}, {pipeline_mode = #tpu.pipeline_mode<synchronous>, transform_indices = @transform_5, window_bounds = array<i64: 64>}, {pipeline_mode = #tpu.pipeline_mode<synchronous>, transform_indices = @transform_6, window_bounds = array<i64: 64>}, {pipeline_mode = #tpu.pipeline_mode<synchronous>, transform_indices = @transform_7, window_bounds = array<i64: 64, 32>}, {pipeline_mode = #tpu.pipeline_mode<synchronous>, transform_indices = @transform_8, window_bounds = array<i64: 32>}, {transform_indices = @transform_9, window_bounds = array<i64: 512, 32>}, {pipeline_mode = #tpu.pipeline_mode<synchronous>, transform_indices = @transform_10, window_bounds = array<i64: 32, 512>}, {pipeline_mode = #tpu.pipeline_mode<synchronous>, transform_indices = @transform_11, window_bounds = array<i64: 512>}, {pipeline_mode = #tpu.pipeline_mode<synchronous>, transform_indices = @transform_12, window_bounds = array<i64: 512>}, {pipeline_mode = #tpu.pipeline_mode<synchronous>, transform_indices = @transform_13, window_bounds = array<i64: 512>}, {pipeline_mode = #tpu.pipeline_mode<synchronous>, transform_indices = @transform_14, window_bounds = array<i64: 512, 256>}, {pipeline_mode = #tpu.pipeline_mode<synchronous>, transform_indices = @transform_15, window_bounds = array<i64: 256>}, {transform_indices = @transform_16, window_bounds = array<i64: 512, 1>}, {transform_indices = @transform_17, window_bounds = array<i64: 512, 256>}]} {
    %get3A = arith.constant 0 : index
    %get3A_0 = arith.constant 0 : index
    %get3A_1 = vector.load %arg10[%get3A, %get3A_0] : memref<512x32xf32, #tpu.memory_space<vmem>>, vector<512x32xf32>
    %get3A_2 = arith.constant 0 : index
    %get3A_3 = arith.constant 0 : index
    %get3A_4 = vector.load %arg11[%get3A_2, %get3A_3] : memref<32x512xf32, #tpu.memory_space<vmem>>, vector<32x512xf32>
    %dot_general3A = arith.constant dense<0.000000e+00> : vector<512x512xf32>
    %dot_general3A_5 = tpu.matmul %get3A_1, %get3A_4, %dot_general3A {dimension_numbers = #tpu.dot_dimension_numbers<[1], [0], [0], [1], [0, 0, 1, 1], [], []>, transpose_lhs_hint = false} : vector<512x32xf32>, vector<32x512xf32>, vector<512x512xf32> -> vector<512x512xf32>
    %get3A_6 = arith.constant 0 : index
    %get3A_7 = vector.load %arg12[%get3A_6] : memref<512xf32, #tpu.memory_space<vmem>>, vector<512xf32>
    %broadcast_in_dim3A = vector.shape_cast %get3A_7 : vector<512xf32> to vector<1x512xf32>
    %add3A = vector.broadcast %broadcast_in_dim3A : vector<1x512xf32> to vector<512x512xf32>
    %add3A_8 = arith.addf %dot_general3A_5, %add3A : vector<512x512xf32>
    %max3A = arith.constant 0.000000e+00 : f32
    %max3A_9 = vector.broadcast %max3A : f32 to vector<512x512xf32>
    %max3A_10 = arith.maximumf %add3A_8, %max3A_9 : vector<512x512xf32>
    %get3A_11 = arith.constant 0 : index
    %get3A_12 = vector.load %arg13[%get3A_11] : memref<512xf32, #tpu.memory_space<vmem>>, vector<512xf32>
    %get3A_13 = arith.constant 0 : index
    %get3A_14 = vector.load %arg14[%get3A_13] : memref<512xf32, #tpu.memory_space<vmem>>, vector<512xf32>
    %reduce_sum3A = arith.constant dense<0.000000e+00> : vector<512xf32>
    %reduce_sum3A_15 = vector.multi_reduction <add>, %max3A_10, %reduce_sum3A [1] : vector<512x512xf32> to vector<512xf32>
    %broadcast_in_dim3A_16 = vector.shape_cast %reduce_sum3A_15 : vector<512xf32> to vector<512x1xf32>
    %div3A = arith.constant 5.120000e+02 : f32
    %div3A_17 = vector.broadcast %div3A : f32 to vector<512x1xf32>
    %div3A_18 = arith.divf %broadcast_in_dim3A_16, %div3A_17 : vector<512x1xf32>
    %jit3A = arith.constant 0 : i32
    %reduce_sum3A_19 = arith.constant dense<0.000000e+00> : vector<512xf32>
    %reduce_sum3A_20 = vector.multi_reduction <add>, %max3A_10, %reduce_sum3A_19 [1] : vector<512x512xf32> to vector<512xf32>
    %broadcast_in_dim3A_21 = vector.shape_cast %reduce_sum3A_20 : vector<512xf32> to vector<512x1xf32>
    %div3A_22 = arith.constant 5.120000e+02 : f32
    %div3A_23 = vector.broadcast %div3A_22 : f32 to vector<512x1xf32>
    %div3A_24 = arith.divf %broadcast_in_dim3A_21, %div3A_23 : vector<512x1xf32>
    %sub3A = vector.broadcast %div3A_24 : vector<512x1xf32> to vector<512x512xf32>
    %sub3A_25 = arith.subf %max3A_10, %sub3A : vector<512x512xf32>
    %square3A = arith.mulf %sub3A_25, %sub3A_25 : vector<512x512xf32>
    %convert_element_type3A = arith.sitofp %jit3A : i32 to f32
    %sub3A_26 = arith.constant 5.120000e+02 : f32
    %sub3A_27 = arith.subf %sub3A_26, %convert_element_type3A : f32
    %reduce_sum3A_28 = arith.constant dense<0.000000e+00> : vector<512xf32>
    %reduce_sum3A_29 = vector.multi_reduction <add>, %square3A, %reduce_sum3A_28 [1] : vector<512x512xf32> to vector<512xf32>
    %broadcast_in_dim3A_30 = vector.shape_cast %reduce_sum3A_29 : vector<512xf32> to vector<512x1xf32>
    %div3A_31 = vector.broadcast %sub3A_27 : f32 to vector<512x1xf32>
    %div3A_32 = arith.divf %broadcast_in_dim3A_30, %div3A_31 : vector<512x1xf32>
    %gt3A = arith.constant 0.000000e+00 : f32
    %gt3A_33 = arith.cmpf ogt, %sub3A_27, %gt3A : f32
    %jit3A_34 = arith.constant 0x7FC00000 : f32
    %broadcast_in_dim3A_35 = vector.broadcast %jit3A_34 : f32 to vector<512x1xf32>
    %select_n3A = arith.select %gt3A_33, %div3A_32, %broadcast_in_dim3A_35 : vector<512x1xf32>
    %sub3A_36 = vector.broadcast %div3A_18 : vector<512x1xf32> to vector<512x512xf32>
    %sub3A_37 = arith.subf %max3A_10, %sub3A_36 : vector<512x512xf32>
    %add3A_38 = arith.constant 9.99999974E-6 : f32
    %add3A_39 = vector.broadcast %add3A_38 : f32 to vector<512x1xf32>
    %add3A_40 = arith.addf %select_n3A, %add3A_39 : vector<512x1xf32>
    %sqrt3A = math.sqrt %add3A_40 : vector<512x1xf32>
    %div3A_41 = vector.broadcast %sqrt3A : vector<512x1xf32> to vector<512x512xf32>
    %div3A_42 = arith.divf %sub3A_37, %div3A_41 : vector<512x512xf32>
    %broadcast_in_dim3A_43 = vector.shape_cast %get3A_12 : vector<512xf32> to vector<1x512xf32>
    %mul3A = vector.broadcast %broadcast_in_dim3A_43 : vector<1x512xf32> to vector<512x512xf32>
    %mul3A_44 = arith.mulf %div3A_42, %mul3A : vector<512x512xf32>
    %broadcast_in_dim3A_45 = vector.shape_cast %get3A_14 : vector<512xf32> to vector<1x512xf32>
    %add3A_46 = vector.broadcast %broadcast_in_dim3A_45 : vector<1x512xf32> to vector<512x512xf32>
    %add3A_47 = arith.addf %mul3A_44, %add3A_46 : vector<512x512xf32>
    %get3A_48 = arith.constant 0 : index
    %get3A_49 = arith.constant 0 : index
    %get3A_50 = vector.load %arg15[%get3A_48, %get3A_49] : memref<512x256xf32, #tpu.memory_space<vmem>>, vector<512x256xf32>
    %dot_general3A_51 = arith.constant dense<0.000000e+00> : vector<512x256xf32>
    %dot_general3A_52 = tpu.matmul %add3A_47, %get3A_50, %dot_general3A_51 {dimension_numbers = #tpu.dot_dimension_numbers<[1], [0], [0], [1], [0, 0, 1, 1], [], []>, transpose_lhs_hint = false} : vector<512x512xf32>, vector<512x256xf32>, vector<512x256xf32> -> vector<512x256xf32>
    %get3A_53 = arith.constant 0 : index
    %get3A_54 = vector.load %arg16[%get3A_53] : memref<256xf32, #tpu.memory_space<vmem>>, vector<256xf32>
    %broadcast_in_dim3A_55 = vector.shape_cast %get3A_54 : vector<256xf32> to vector<1x256xf32>
    %add3A_56 = vector.broadcast %broadcast_in_dim3A_55 : vector<1x256xf32> to vector<512x256xf32>
    %add3A_57 = arith.addf %dot_general3A_52, %add3A_56 : vector<512x256xf32>
    %swap3A = arith.constant 0 : index
    %swap3A_58 = arith.constant 0 : index
    %swap3A_59 = vector.load %arg18[%swap3A, %swap3A_58] : memref<512x256xf32, #tpu.memory_space<vmem>>, vector<512x256xf32>
    tpu.vector_store %arg18[%swap3A, %swap3A_58], %add3A_57 {strides = array<i32>} : memref<512x256xf32, #tpu.memory_space<vmem>>, vector<512x256xf32>,
    %get3A_60 = arith.constant 0 : index
    %get3A_61 = arith.constant 0 : index
    %get3A_62 = vector.load %arg1[%get3A_60, %get3A_61] : memref<512x256xf32, #tpu.memory_space<vmem>>, vector<512x256xf32>
    %get3A_63 = arith.constant 0 : index
    %get3A_64 = arith.constant 0 : index
    %get3A_65 = vector.load %arg4[%get3A_63, %get3A_64] : memref<256x64xf32, #tpu.memory_space<vmem>>, vector<256x64xf32>
    %dot_general3A_66 = arith.constant dense<0.000000e+00> : vector<512x64xf32>
    %dot_general3A_67 = tpu.matmul %get3A_62, %get3A_65, %dot_general3A_66 {dimension_numbers = #tpu.dot_dimension_numbers<[1], [0], [0], [1], [0, 0, 1, 1], [], []>, transpose_lhs_hint = false} : vector<512x256xf32>, vector<256x64xf32>, vector<512x64xf32> -> vector<512x64xf32>
    %get3A_68 = arith.constant 0 : index
    %get3A_69 = vector.load %arg5[%get3A_68] : memref<64xf32, #tpu.memory_space<vmem>>, vector<64xf32>
    %broadcast_in_dim3A_70 = vector.shape_cast %get3A_69 : vector<64xf32> to vector<1x64xf32>
    %add3A_71 = vector.broadcast %broadcast_in_dim3A_70 : vector<1x64xf32> to vector<512x64xf32>
    %add3A_72 = arith.addf %dot_general3A_67, %add3A_71 : vector<512x64xf32>
    %max3A_73 = arith.constant 0.000000e+00 : f32
    %max3A_74 = vector.broadcast %max3A_73 : f32 to vector<512x64xf32>
    %max3A_75 = arith.maximumf %add3A_72, %max3A_74 : vector<512x64xf32>
    %get3A_76 = arith.constant 0 : index
    %get3A_77 = vector.load %arg6[%get3A_76] : memref<64xf32, #tpu.memory_space<vmem>>, vector<64xf32>
    %get3A_78 = arith.constant 0 : index
    %get3A_79 = vector.load %arg7[%get3A_78] : memref<64xf32, #tpu.memory_space<vmem>>, vector<64xf32>
    %reduce_sum3A_80 = arith.constant dense<0.000000e+00> : vector<512xf32>
    %reduce_sum3A_81 = vector.multi_reduction <add>, %max3A_75, %reduce_sum3A_80 [1] : vector<512x64xf32> to vector<512xf32>
    %broadcast_in_dim3A_82 = vector.shape_cast %reduce_sum3A_81 : vector<512xf32> to vector<512x1xf32>
    %div3A_83 = arith.constant 6.400000e+01 : f32
    %div3A_84 = vector.broadcast %div3A_83 : f32 to vector<512x1xf32>
    %div3A_85 = arith.divf %broadcast_in_dim3A_82, %div3A_84 : vector<512x1xf32>
    %jit3A_86 = arith.constant 0 : i32
    %reduce_sum3A_87 = arith.constant dense<0.000000e+00> : vector<512xf32>
    %reduce_sum3A_88 = vector.multi_reduction <add>, %max3A_75, %reduce_sum3A_87 [1] : vector<512x64xf32> to vector<512xf32>
    %broadcast_in_dim3A_89 = vector.shape_cast %reduce_sum3A_88 : vector<512xf32> to vector<512x1xf32>
    %div3A_90 = arith.constant 6.400000e+01 : f32
    %div3A_91 = vector.broadcast %div3A_90 : f32 to vector<512x1xf32>
    %div3A_92 = arith.divf %broadcast_in_dim3A_89, %div3A_91 : vector<512x1xf32>
    %sub3A_93 = vector.broadcast %div3A_92 : vector<512x1xf32> to vector<512x64xf32>
    %sub3A_94 = arith.subf %max3A_75, %sub3A_93 : vector<512x64xf32>
    %square3A_95 = arith.mulf %sub3A_94, %sub3A_94 : vector<512x64xf32>
    %convert_element_type3A_96 = arith.sitofp %jit3A_86 : i32 to f32
    %sub3A_97 = arith.constant 6.400000e+01 : f32
    %sub3A_98 = arith.subf %sub3A_97, %convert_element_type3A_96 : f32
    %reduce_sum3A_99 = arith.constant dense<0.000000e+00> : vector<512xf32>
    %reduce_sum3A_100 = vector.multi_reduction <add>, %square3A_95, %reduce_sum3A_99 [1] : vector<512x64xf32> to vector<512xf32>
    %broadcast_in_dim3A_101 = vector.shape_cast %reduce_sum3A_100 : vector<512xf32> to vector<512x1xf32>
    %div3A_102 = vector.broadcast %sub3A_98 : f32 to vector<512x1xf32>
    %div3A_103 = arith.divf %broadcast_in_dim3A_101, %div3A_102 : vector<512x1xf32>
    %gt3A_104 = arith.constant 0.000000e+00 : f32
    %gt3A_105 = arith.cmpf ogt, %sub3A_98, %gt3A_104 : f32
    %jit3A_106 = arith.constant 0x7FC00000 : f32
    %broadcast_in_dim3A_107 = vector.broadcast %jit3A_106 : f32 to vector<512x1xf32>
    %select_n3A_108 = arith.select %gt3A_105, %div3A_103, %broadcast_in_dim3A_107 : vector<512x1xf32>
    %sub3A_109 = vector.broadcast %div3A_85 : vector<512x1xf32> to vector<512x64xf32>
    %sub3A_110 = arith.subf %max3A_75, %sub3A_109 : vector<512x64xf32>
    %add3A_111 = arith.constant 9.99999974E-6 : f32
    %add3A_112 = vector.broadcast %add3A_111 : f32 to vector<512x1xf32>
    %add3A_113 = arith.addf %select_n3A_108, %add3A_112 : vector<512x1xf32>
    %sqrt3A_114 = math.sqrt %add3A_113 : vector<512x1xf32>
    %div3A_115 = vector.broadcast %sqrt3A_114 : vector<512x1xf32> to vector<512x64xf32>
    %div3A_116 = arith.divf %sub3A_110, %div3A_115 : vector<512x64xf32>
    %broadcast_in_dim3A_117 = vector.shape_cast %get3A_77 : vector<64xf32> to vector<1x64xf32>
    %mul3A_118 = vector.broadcast %broadcast_in_dim3A_117 : vector<1x64xf32> to vector<512x64xf32>
    %mul3A_119 = arith.mulf %div3A_116, %mul3A_118 : vector<512x64xf32>
    %broadcast_in_dim3A_120 = vector.shape_cast %get3A_79 : vector<64xf32> to vector<1x64xf32>
    %add3A_121 = vector.broadcast %broadcast_in_dim3A_120 : vector<1x64xf32> to vector<512x64xf32>
    %add3A_122 = arith.addf %mul3A_119, %add3A_121 : vector<512x64xf32>
    %get3A_123 = arith.constant 0 : index
    %get3A_124 = arith.constant 0 : index
    %get3A_125 = vector.load %arg8[%get3A_123, %get3A_124] : memref<64x32xf32, #tpu.memory_space<vmem>>, vector<64x32xf32>
    %dot_general3A_126 = arith.constant dense<0.000000e+00> : vector<512x32xf32>
    %dot_general3A_127 = tpu.matmul %add3A_122, %get3A_125, %dot_general3A_126 {dimension_numbers = #tpu.dot_dimension_numbers<[1], [0], [0], [1], [0, 0, 1, 1], [], []>, transpose_lhs_hint = false} : vector<512x64xf32>, vector<64x32xf32>, vector<512x32xf32> -> vector<512x32xf32>
    %get3A_128 = arith.constant 0 : index
    %get3A_129 = vector.load %arg9[%get3A_128] : memref<32xf32, #tpu.memory_space<vmem>>, vector<32xf32>
    %broadcast_in_dim3A_130 = vector.shape_cast %get3A_129 : vector<32xf32> to vector<1x32xf32>
    %add3A_131 = vector.broadcast %broadcast_in_dim3A_130 : vector<1x32xf32> to vector<512x32xf32>
    %add3A_132 = arith.addf %dot_general3A_127, %add3A_131 : vector<512x32xf32>
    %mul3A_133 = arith.constant 2.000000e+00 : f32
    %mul3A_134 = vector.broadcast %mul3A_133 : f32 to vector<512x32xf32>
    %mul3A_135 = arith.mulf %add3A_132, %mul3A_134 : vector<512x32xf32>
    %convert_element_type3A_136 = arith.truncf %mul3A_135 : vector<512x32xf32> to vector<512x32xbf16>
    %mul3A_137 = arith.mulf %add3A_132, %add3A_132 : vector<512x32xf32>
    %reduce_sum3A_138 = arith.constant dense<0.000000e+00> : vector<512xf32>
    %reduce_sum3A_139 = vector.multi_reduction <add>, %mul3A_137, %reduce_sum3A_138 [1] : vector<512x32xf32> to vector<512xf32>
    %broadcast_in_dim3A_140 = vector.shape_cast %reduce_sum3A_139 : vector<512xf32> to vector<512x1xf32>
    %iota3A = tpu.iota {dimensions = array<i32: 1>} : vector<512x2048xi32>
    %broadcast_in_dim3A_141 = arith.constant 0x7F800000 : f32
    %broadcast_in_dim3A_142 = vector.broadcast %broadcast_in_dim3A_141 : f32 to vector<512x1xf32>
    %broadcast_in_dim3A_143 = arith.constant 0 : i32
    %broadcast_in_dim3A_144 = vector.broadcast %broadcast_in_dim3A_143 : i32 to vector<512x1xi32>
    %get3A_145 = arith.constant 0 : index
    %get3A_146 = arith.constant 0 : index
    %get3A_147 = vector.load %arg2[%get3A_145, %get3A_146] : memref<8192x32xf32, #tpu.memory_space<vmem>>, vector<2048x32xf32>
    %convert_element_type3A_148 = arith.truncf %get3A_147 : vector<2048x32xf32> to vector<2048x32xbf16>
    %dot_general3A_149 = arith.constant dense<0.000000e+00> : vector<512x2048xf32>
    %dot_general3A_150 = tpu.matmul %convert_element_type3A_136, %convert_element_type3A_148, %dot_general3A_149 {dimension_numbers = #tpu.dot_dimension_numbers<[1], [1], [0], [0], [0, 0, 1, 0], [], []>, transpose_lhs_hint = false} : vector<512x32xbf16>, vector<2048x32xbf16>, vector<512x2048xf32> -> vector<512x2048xf32>
    %sub3A_151 = vector.broadcast %broadcast_in_dim3A_140 : vector<512x1xf32> to vector<512x2048xf32>
    %sub3A_152 = arith.subf %sub3A_151, %dot_general3A_150 : vector<512x2048xf32>
    %get3A_153 = arith.constant 0 : index
    %get3A_154 = arith.constant 0 : index
    %get3A_155 = vector.load %arg3[%get3A_153, %get3A_154] : memref<1x8192xf32, #tpu.memory_space<vmem>>, vector<1x2048xf32>
    %add3A_156 = vector.broadcast %get3A_155 : vector<1x2048xf32> to vector<512x2048xf32>
    %add3A_157 = arith.addf %sub3A_152, %add3A_156 : vector<512x2048xf32>
    %rsqrt3A = math.rsqrt %add3A_157 : vector<512x2048xf32>
    %mul3A_158 = arith.mulf %add3A_157, %rsqrt3A : vector<512x2048xf32>
    %reduce_min3A = arith.constant dense<0x7F800000> : vector<512xf32>
    %reduce_min3A_159 = vector.multi_reduction <minimumf>, %mul3A_158, %reduce_min3A [1] : vector<512x2048xf32> to vector<512xf32>
    %broadcast_in_dim3A_160 = vector.shape_cast %reduce_min3A_159 : vector<512xf32> to vector<512x1xf32>
    %eq3A = vector.broadcast %broadcast_in_dim3A_160 : vector<512x1xf32> to vector<512x2048xf32>
    %eq3A_161 = arith.cmpf oeq, %mul3A_158, %eq3A : vector<512x2048xf32>
    %jit3A_162 = arith.constant 8192 : i32
    %broadcast_in_dim3A_163 = vector.broadcast %jit3A_162 : i32 to vector<512x2048xi32>
    %select_n3A_164 = arith.select %eq3A_161, %iota3A, %broadcast_in_dim3A_163 : vector<512x2048xi1>, vector<512x2048xi32>
    %reduce_min3A_165 = arith.constant dense<2147483647> : vector<512xi32>
    %reduce_min3A_166 = vector.multi_reduction <minsi>, %select_n3A_164, %reduce_min3A_165 [1] : vector<512x2048xi32> to vector<512xi32>
    %broadcast_in_dim3A_167 = vector.shape_cast %reduce_min3A_166 : vector<512xi32> to vector<512x1xi32>
    %add3A_168 = arith.constant 0 : i32
    %add3A_169 = vector.broadcast %add3A_168 : i32 to vector<512x1xi32>
    %add3A_170 = arith.addi %broadcast_in_dim3A_167, %add3A_169 : vector<512x1xi32>
    %lt3A = arith.cmpf olt, %broadcast_in_dim3A_160, %broadcast_in_dim3A_142 : vector<512x1xf32>
    %bitcast_convert_type3A = tpu.bitcast %broadcast_in_dim3A_160 : vector<512x1xf32> -> vector<512x1xi32>
    %shift_right_logical3A = arith.constant 16 : i32
    %shift_right_logical3A_171 = vector.broadcast %shift_right_logical3A : i32 to vector<512x1xi32>
    %shift_right_logical3A_172 = arith.shrui %bitcast_convert_type3A, %shift_right_logical3A_171 : vector<512x1xi32>
    %and3A = arith.constant 1 : i32
    %and3A_173 = vector.broadcast %and3A : i32 to vector<512x1xi32>
    %and3A_174 = arith.andi %shift_right_logical3A_172, %and3A_173 : vector<512x1xi32>
    %add3A_175 = arith.constant 32767 : i32
    %add3A_176 = vector.broadcast %add3A_175 : i32 to vector<512x1xi32>
    %add3A_177 = arith.addi %bitcast_convert_type3A, %add3A_176 : vector<512x1xi32>
    %add3A_178 = arith.addi %add3A_177, %and3A_174 : vector<512x1xi32>
    %and3A_179 = arith.constant -65536 : i32
    %and3A_180 = vector.broadcast %and3A_179 : i32 to vector<512x1xi32>
    %and3A_181 = arith.andi %add3A_178, %and3A_180 : vector<512x1xi32>
    %bitcast_convert_type3A_182 = tpu.bitcast %and3A_181 : vector<512x1xi32> -> vector<512x1xf32>
    %select_n3A_183 = arith.select %lt3A, %bitcast_convert_type3A_182, %broadcast_in_dim3A_142 : vector<512x1xi1>, vector<512x1xf32>
    %select_n3A_184 = arith.select %lt3A, %add3A_170, %broadcast_in_dim3A_144 : vector<512x1xi1>, vector<512x1xi32>
    %get3A_185 = arith.constant 2048 : index
    %get3A_186 = arith.constant 0 : index
    %get3A_187 = vector.load %arg2[%get3A_185, %get3A_186] : memref<8192x32xf32, #tpu.memory_space<vmem>>, vector<2048x32xf32>
    %convert_element_type3A_188 = arith.truncf %get3A_187 : vector<2048x32xf32> to vector<2048x32xbf16>
    %dot_general3A_189 = arith.constant dense<0.000000e+00> : vector<512x2048xf32>
    %dot_general3A_190 = tpu.matmul %convert_element_type3A_136, %convert_element_type3A_188, %dot_general3A_189 {dimension_numbers = #tpu.dot_dimension_numbers<[1], [1], [0], [0], [0, 0, 1, 0], [], []>, transpose_lhs_hint = false} : vector<512x32xbf16>, vector<2048x32xbf16>, vector<512x2048xf32> -> vector<512x2048xf32>
    %sub3A_191 = vector.broadcast %broadcast_in_dim3A_140 : vector<512x1xf32> to vector<512x2048xf32>
    %sub3A_192 = arith.subf %sub3A_191, %dot_general3A_190 : vector<512x2048xf32>
    %get3A_193 = arith.constant 0 : index
    %get3A_194 = arith.constant 2048 : index
    %get3A_195 = vector.load %arg3[%get3A_193, %get3A_194] : memref<1x8192xf32, #tpu.memory_space<vmem>>, vector<1x2048xf32>
    %add3A_196 = vector.broadcast %get3A_195 : vector<1x2048xf32> to vector<512x2048xf32>
    %add3A_197 = arith.addf %sub3A_192, %add3A_196 : vector<512x2048xf32>
    %rsqrt3A_198 = math.rsqrt %add3A_197 : vector<512x2048xf32>
    %mul3A_199 = arith.mulf %add3A_197, %rsqrt3A_198 : vector<512x2048xf32>
    %reduce_min3A_200 = arith.constant dense<0x7F800000> : vector<512xf32>
    %reduce_min3A_201 = vector.multi_reduction <minimumf>, %mul3A_199, %reduce_min3A_200 [1] : vector<512x2048xf32> to vector<512xf32>
    %broadcast_in_dim3A_202 = vector.shape_cast %reduce_min3A_201 : vector<512xf32> to vector<512x1xf32>
    %eq3A_203 = vector.broadcast %broadcast_in_dim3A_202 : vector<512x1xf32> to vector<512x2048xf32>
    %eq3A_204 = arith.cmpf oeq, %mul3A_199, %eq3A_203 : vector<512x2048xf32>
    %jit3A_205 = arith.constant 8192 : i32
    %broadcast_in_dim3A_206 = vector.broadcast %jit3A_205 : i32 to vector<512x2048xi32>
    %select_n3A_207 = arith.select %eq3A_204, %iota3A, %broadcast_in_dim3A_206 : vector<512x2048xi1>, vector<512x2048xi32>
    %reduce_min3A_208 = arith.constant dense<2147483647> : vector<512xi32>
    %reduce_min3A_209 = vector.multi_reduction <minsi>, %select_n3A_207, %reduce_min3A_208 [1] : vector<512x2048xi32> to vector<512xi32>
    %broadcast_in_dim3A_210 = vector.shape_cast %reduce_min3A_209 : vector<512xi32> to vector<512x1xi32>
    %add3A_211 = arith.constant 2048 : i32
    %add3A_212 = vector.broadcast %add3A_211 : i32 to vector<512x1xi32>
    %add3A_213 = arith.addi %broadcast_in_dim3A_210, %add3A_212 : vector<512x1xi32>
    %lt3A_214 = arith.cmpf olt, %broadcast_in_dim3A_202, %select_n3A_183 : vector<512x1xf32>
    %bitcast_convert_type3A_215 = tpu.bitcast %broadcast_in_dim3A_202 : vector<512x1xf32> -> vector<512x1xi32>
    %shift_right_logical3A_216 = arith.constant 16 : i32
    %shift_right_logical3A_217 = vector.broadcast %shift_right_logical3A_216 : i32 to vector<512x1xi32>
    %shift_right_logical3A_218 = arith.shrui %bitcast_convert_type3A_215, %shift_right_logical3A_217 : vector<512x1xi32>
    %and3A_219 = arith.constant 1 : i32
    %and3A_220 = vector.broadcast %and3A_219 : i32 to vector<512x1xi32>
    %and3A_221 = arith.andi %shift_right_logical3A_218, %and3A_220 : vector<512x1xi32>
    %add3A_222 = arith.constant 32767 : i32
    %add3A_223 = vector.broadcast %add3A_222 : i32 to vector<512x1xi32>
    %add3A_224 = arith.addi %bitcast_convert_type3A_215, %add3A_223 : vector<512x1xi32>
    %add3A_225 = arith.addi %add3A_224, %and3A_221 : vector<512x1xi32>
    %and3A_226 = arith.constant -65536 : i32
    %and3A_227 = vector.broadcast %and3A_226 : i32 to vector<512x1xi32>
    %and3A_228 = arith.andi %add3A_225, %and3A_227 : vector<512x1xi32>
    %bitcast_convert_type3A_229 = tpu.bitcast %and3A_228 : vector<512x1xi32> -> vector<512x1xf32>
    %select_n3A_230 = arith.select %lt3A_214, %bitcast_convert_type3A_229, %select_n3A_183 : vector<512x1xi1>, vector<512x1xf32>
    %select_n3A_231 = arith.select %lt3A_214, %add3A_213, %select_n3A_184 : vector<512x1xi1>, vector<512x1xi32>
    %get3A_232 = arith.constant 4096 : index
    %get3A_233 = arith.constant 0 : index
    %get3A_234 = vector.load %arg2[%get3A_232, %get3A_233] : memref<8192x32xf32, #tpu.memory_space<vmem>>, vector<2048x32xf32>
    %convert_element_type3A_235 = arith.truncf %get3A_234 : vector<2048x32xf32> to vector<2048x32xbf16>
    %dot_general3A_236 = arith.constant dense<0.000000e+00> : vector<512x2048xf32>
    %dot_general3A_237 = tpu.matmul %convert_element_type3A_136, %convert_element_type3A_235, %dot_general3A_236 {dimension_numbers = #tpu.dot_dimension_numbers<[1], [1], [0], [0], [0, 0, 1, 0], [], []>, transpose_lhs_hint = false} : vector<512x32xbf16>, vector<2048x32xbf16>, vector<512x2048xf32> -> vector<512x2048xf32>
    %sub3A_238 = vector.broadcast %broadcast_in_dim3A_140 : vector<512x1xf32> to vector<512x2048xf32>
    %sub3A_239 = arith.subf %sub3A_238, %dot_general3A_237 : vector<512x2048xf32>
    %get3A_240 = arith.constant 0 : index
    %get3A_241 = arith.constant 4096 : index
    %get3A_242 = vector.load %arg3[%get3A_240, %get3A_241] : memref<1x8192xf32, #tpu.memory_space<vmem>>, vector<1x2048xf32>
    %add3A_243 = vector.broadcast %get3A_242 : vector<1x2048xf32> to vector<512x2048xf32>
    %add3A_244 = arith.addf %sub3A_239, %add3A_243 : vector<512x2048xf32>
    %rsqrt3A_245 = math.rsqrt %add3A_244 : vector<512x2048xf32>
    %mul3A_246 = arith.mulf %add3A_244, %rsqrt3A_245 : vector<512x2048xf32>
    %reduce_min3A_247 = arith.constant dense<0x7F800000> : vector<512xf32>
    %reduce_min3A_248 = vector.multi_reduction <minimumf>, %mul3A_246, %reduce_min3A_247 [1] : vector<512x2048xf32> to vector<512xf32>
    %broadcast_in_dim3A_249 = vector.shape_cast %reduce_min3A_248 : vector<512xf32> to vector<512x1xf32>
    %eq3A_250 = vector.broadcast %broadcast_in_dim3A_249 : vector<512x1xf32> to vector<512x2048xf32>
    %eq3A_251 = arith.cmpf oeq, %mul3A_246, %eq3A_250 : vector<512x2048xf32>
    %jit3A_252 = arith.constant 8192 : i32
    %broadcast_in_dim3A_253 = vector.broadcast %jit3A_252 : i32 to vector<512x2048xi32>
    %select_n3A_254 = arith.select %eq3A_251, %iota3A, %broadcast_in_dim3A_253 : vector<512x2048xi1>, vector<512x2048xi32>
    %reduce_min3A_255 = arith.constant dense<2147483647> : vector<512xi32>
    %reduce_min3A_256 = vector.multi_reduction <minsi>, %select_n3A_254, %reduce_min3A_255 [1] : vector<512x2048xi32> to vector<512xi32>
    %broadcast_in_dim3A_257 = vector.shape_cast %reduce_min3A_256 : vector<512xi32> to vector<512x1xi32>
    %add3A_258 = arith.constant 4096 : i32
    %add3A_259 = vector.broadcast %add3A_258 : i32 to vector<512x1xi32>
    %add3A_260 = arith.addi %broadcast_in_dim3A_257, %add3A_259 : vector<512x1xi32>
    %lt3A_261 = arith.cmpf olt, %broadcast_in_dim3A_249, %select_n3A_230 : vector<512x1xf32>
    %bitcast_convert_type3A_262 = tpu.bitcast %broadcast_in_dim3A_249 : vector<512x1xf32> -> vector<512x1xi32>
    %shift_right_logical3A_263 = arith.constant 16 : i32
    %shift_right_logical3A_264 = vector.broadcast %shift_right_logical3A_263 : i32 to vector<512x1xi32>
    %shift_right_logical3A_265 = arith.shrui %bitcast_convert_type3A_262, %shift_right_logical3A_264 : vector<512x1xi32>
    %and3A_266 = arith.constant 1 : i32
    %and3A_267 = vector.broadcast %and3A_266 : i32 to vector<512x1xi32>
    %and3A_268 = arith.andi %shift_right_logical3A_265, %and3A_267 : vector<512x1xi32>
    %add3A_269 = arith.constant 32767 : i32
    %add3A_270 = vector.broadcast %add3A_269 : i32 to vector<512x1xi32>
    %add3A_271 = arith.addi %bitcast_convert_type3A_262, %add3A_270 : vector<512x1xi32>
    %add3A_272 = arith.addi %add3A_271, %and3A_268 : vector<512x1xi32>
    %and3A_273 = arith.constant -65536 : i32
    %and3A_274 = vector.broadcast %and3A_273 : i32 to vector<512x1xi32>
    %and3A_275 = arith.andi %add3A_272, %and3A_274 : vector<512x1xi32>
    %bitcast_convert_type3A_276 = tpu.bitcast %and3A_275 : vector<512x1xi32> -> vector<512x1xf32>
    %select_n3A_277 = arith.select %lt3A_261, %bitcast_convert_type3A_276, %select_n3A_230 : vector<512x1xi1>, vector<512x1xf32>
    %select_n3A_278 = arith.select %lt3A_261, %add3A_260, %select_n3A_231 : vector<512x1xi1>, vector<512x1xi32>
    %get3A_279 = arith.constant 6144 : index
    %get3A_280 = arith.constant 0 : index
    %get3A_281 = vector.load %arg2[%get3A_279, %get3A_280] : memref<8192x32xf32, #tpu.memory_space<vmem>>, vector<2048x32xf32>
    %convert_element_type3A_282 = arith.truncf %get3A_281 : vector<2048x32xf32> to vector<2048x32xbf16>
    %dot_general3A_283 = arith.constant dense<0.000000e+00> : vector<512x2048xf32>
    %dot_general3A_284 = tpu.matmul %convert_element_type3A_136, %convert_element_type3A_282, %dot_general3A_283 {dimension_numbers = #tpu.dot_dimension_numbers<[1], [1], [0], [0], [0, 0, 1, 0], [], []>, transpose_lhs_hint = false} : vector<512x32xbf16>, vector<2048x32xbf16>, vector<512x2048xf32> -> vector<512x2048xf32>
    %sub3A_285 = vector.broadcast %broadcast_in_dim3A_140 : vector<512x1xf32> to vector<512x2048xf32>
    %sub3A_286 = arith.subf %sub3A_285, %dot_general3A_284 : vector<512x2048xf32>
    %get3A_287 = arith.constant 0 : index
    %get3A_288 = arith.constant 6144 : index
    %get3A_289 = vector.load %arg3[%get3A_287, %get3A_288] : memref<1x8192xf32, #tpu.memory_space<vmem>>, vector<1x2048xf32>
    %add3A_290 = vector.broadcast %get3A_289 : vector<1x2048xf32> to vector<512x2048xf32>
    %add3A_291 = arith.addf %sub3A_286, %add3A_290 : vector<512x2048xf32>
    %rsqrt3A_292 = math.rsqrt %add3A_291 : vector<512x2048xf32>
    %mul3A_293 = arith.mulf %add3A_291, %rsqrt3A_292 : vector<512x2048xf32>
    %reduce_min3A_294 = arith.constant dense<0x7F800000> : vector<512xf32>
    %reduce_min3A_295 = vector.multi_reduction <minimumf>, %mul3A_293, %reduce_min3A_294 [1] : vector<512x2048xf32> to vector<512xf32>
    %broadcast_in_dim3A_296 = vector.shape_cast %reduce_min3A_295 : vector<512xf32> to vector<512x1xf32>
    %eq3A_297 = vector.broadcast %broadcast_in_dim3A_296 : vector<512x1xf32> to vector<512x2048xf32>
    %eq3A_298 = arith.cmpf oeq, %mul3A_293, %eq3A_297 : vector<512x2048xf32>
    %jit3A_299 = arith.constant 8192 : i32
    %broadcast_in_dim3A_300 = vector.broadcast %jit3A_299 : i32 to vector<512x2048xi32>
    %select_n3A_301 = arith.select %eq3A_298, %iota3A, %broadcast_in_dim3A_300 : vector<512x2048xi1>, vector<512x2048xi32>
    %reduce_min3A_302 = arith.constant dense<2147483647> : vector<512xi32>
    %reduce_min3A_303 = vector.multi_reduction <minsi>, %select_n3A_301, %reduce_min3A_302 [1] : vector<512x2048xi32> to vector<512xi32>
    %broadcast_in_dim3A_304 = vector.shape_cast %reduce_min3A_303 : vector<512xi32> to vector<512x1xi32>
    %add3A_305 = arith.constant 6144 : i32
    %add3A_306 = vector.broadcast %add3A_305 : i32 to vector<512x1xi32>
    %add3A_307 = arith.addi %broadcast_in_dim3A_304, %add3A_306 : vector<512x1xi32>
    %lt3A_308 = arith.cmpf olt, %broadcast_in_dim3A_296, %select_n3A_277 : vector<512x1xf32>
    %select_n3A_309 = arith.select %lt3A_308, %add3A_307, %select_n3A_278 : vector<512x1xi1>, vector<512x1xi32>
    %swap3A_310 = arith.constant 0 : index
    %swap3A_311 = arith.constant 0 : index
    %swap3A_312 = vector.load %arg17[%swap3A_310, %swap3A_311] : memref<512x1xi32, #tpu.memory_space<vmem>>, vector<512x1xi32>
    tpu.vector_store %arg17[%swap3A_310, %swap3A_311], %select_n3A_309 {strides = array<i32>} : memref<512x1xi32, #tpu.memory_space<vmem>>, vector<512x1xi32>,
    return
  }
  func.func @transform_0(%arg0: i32) -> (i32, i32) {
    %c0_i32 = arith.constant 0 : i32
    %c0_i32_0 = arith.constant 0 : i32
    return %arg0, %c0_i32 : i32, i32
  }
  func.func @transform_1(%arg0: i32) -> (i32, i32) {
    %c0_i32 = arith.constant 0 : i32
    %c0_i32_0 = arith.constant 0 : i32
    %c0_i32_1 = arith.constant 0 : i32
    return %c0_i32, %c0_i32_0 : i32, i32
  }
  func.func @transform_2(%arg0: i32) -> (i32, i32) {
    %c0_i32 = arith.constant 0 : i32
    %c0_i32_0 = arith.constant 0 : i32
    %c0_i32_1 = arith.constant 0 : i32
    return %c0_i32, %c0_i32_0 : i32, i32
  }
  func.func @transform_3(%arg0: i32) -> (i32, i32) {
    %c0_i32 = arith.constant 0 : i32
    %c0_i32_0 = arith.constant 0 : i32
    %c0_i32_1 = arith.constant 0 : i32
    return %c0_i32, %c0_i32_0 : i32, i32
  }
  func.func @transform_4(%arg0: i32) -> i32 {
    %c0_i32 = arith.constant 0 : i32
    %c0_i32_0 = arith.constant 0 : i32
    return %c0_i32 : i32
  }
  func.func @transform_5(%arg0: i32) -> i32 {
    %c0_i32 = arith.constant 0 : i32
    %c0_i32_0 = arith.constant 0 : i32
    return %c0_i32 : i32
  }
  func.func @transform_6(%arg0: i32) -> i32 {
    %c0_i32 = arith.constant 0 : i32
    %c0_i32_0 = arith.constant 0 : i32
    return %c0_i32 : i32
  }
  func.func @transform_7(%arg0: i32) -> (i32, i32) {
    %c0_i32 = arith.constant 0 : i32
    %c0_i32_0 = arith.constant 0 : i32
    %c0_i32_1 = arith.constant 0 : i32
    return %c0_i32, %c0_i32_0 : i32, i32
  }
  func.func @transform_8(%arg0: i32) -> i32 {
    %c0_i32 = arith.constant 0 : i32
    %c0_i32_0 = arith.constant 0 : i32
    return %c0_i32 : i32
  }
  func.func @transform_9(%arg0: i32) -> (i32, i32) {
    %c0_i32 = arith.constant 0 : i32
    %c0_i32_0 = arith.constant 0 : i32
    return %arg0, %c0_i32 : i32, i32
  }
  func.func @transform_10(%arg0: i32) -> (i32, i32) {
    %c0_i32 = arith.constant 0 : i32
    %c0_i32_0 = arith.constant 0 : i32
    %c0_i32_1 = arith.constant 0 : i32
    return %c0_i32, %c0_i32_0 : i32, i32
  }
  func.func @transform_11(%arg0: i32) -> i32 {
    %c0_i32 = arith.constant 0 : i32
    %c0_i32_0 = arith.constant 0 : i32
    return %c0_i32 : i32
  }
  func.func @transform_12(%arg0: i32) -> i32 {
    %c0_i32 = arith.constant 0 : i32
    %c0_i32_0 = arith.constant 0 : i32
    return %c0_i32 : i32
  }
  func.func @transform_13(%arg0: i32) -> i32 {
    %c0_i32 = arith.constant 0 : i32
    %c0_i32_0 = arith.constant 0 : i32
    return %c0_i32 : i32
  }
  func.func @transform_14(%arg0: i32) -> (i32, i32) {
    %c0_i32 = arith.constant 0 : i32
    %c0_i32_0 = arith.constant 0 : i32
    %c0_i32_1 = arith.constant 0 : i32
    return %c0_i32, %c0_i32_0 : i32, i32
  }
  func.func @transform_15(%arg0: i32) -> i32 {
    %c0_i32 = arith.constant 0 : i32
    %c0_i32_0 = arith.constant 0 : i32
    return %c0_i32 : i32
  }
  func.func @transform_16(%arg0: i32) -> (i32, i32) {
    %c0_i32 = arith.constant 0 : i32
    %c0_i32_0 = arith.constant 0 : i32
    return %arg0, %c0_i32 : i32, i32
  }
  func.func @transform_17(%arg0: i32) -> (i32, i32) {
    %c0_i32 = arith.constant 0 : i32
    %c0_i32_0 = arith.constant 0 : i32
    return %arg0, %c0_i32 : i32, i32
  }
}

</mosaic_0001>

<sc_bundles>
// kernel: kernel.4.cloned.1.call-start
scs
__scs_entry_jumppad:
0x0: {  	(pc) =	sbr.rel $0x88, $3  }
0x1: {  	(tag) =	ssettag $0x0;
	lr =	simm.s32 $0x1  }
0x2: {  	[smem:$0x3F93] =	sst lr;
	_ =	strace $0xD0000000  }
0x3: {  	_ = 	snop  }
0x4: {  	_ = 	snop  }
0x5: {  	_ = 	snop  }
0x6: {  	_ = 	snop  }
0x7: {  	_ = 	snop  }
__scs_overlays_trampoline_lowered:
0x8: {  	[smem:$0x3FA2] =	sst s0  }
0x9: {  	[smem:$0x3FA3] =	sst s1  }
0xa: {  	[smem:$0x3FA4] =	sst s2  }
0xb: {  	[smem:$0x3FA5] =	sst s3  }
0xc: {  	[smem:$0x3FA6] =	sst s4  }
0xd: {  	[smem:$0x3FA7] =	sst s5  }
0xe: {  	[smem:$0x3FA8] =	sst s6  }
0xf: {  	[smem:$0x3FA9] =	sst s7  }
0x10: {  	[smem:$0x3FAA] =	sst s8  }
0x11: {  	[smem:$0x3FAB] =	sst s9;
	s0 =	simm.s32 @!p0 $0x0  }
0x12: {  	s1 =	sld [smem:$0x3F91];
	s0 =	simm.s32 @p0 $0x1  }
0x13: {  	[smem:$0x3FAC] =	sst s0;
	s0 =	simm.s32 @!p1 $0x0  }
0x14: {  	s2 =	sld [smem:$0x3F90];
	s0 =	simm.s32 @p1 $0x1  }
0x15: {  	[smem:$0x3FAD] =	sst s0;
	s0 =	simm.s32 @!p2 $0x0  }
0x16: {  	s3 =	sld [smem:$0x3FDB];
	s0 =	simm.s32 @p2 $0x1  }
0x17: {  	s4 =	simm.s32 $0x1BF5;
	[smem:$0x3FAF] =	sst s0  }
0x18: {  	s0 =	sld [smem:$0x3F92];
	_ =	swait.ge [sflag:s4], $0x0  }
0x19: {  	s7 =	sld [smem:$0x3F93]  }
0x1a: {  	s8 =	sadd.s32 $0xFFFFE003, lr  }
0x1b: {  	s9 =	sadd.s32 $0xFFFFFEF7, lr;
	s5 =	simm.s32 $0xFFFFFFFF;
	p2 =	slt.u32 s8, $0xFFFFF086  }
0x1c: {  	p1 =	slt.u32 s9, $0xF7A;
	s5 =	simm.s32 @!p2 $0x0  }
0x1d: {  	s5 =	simm.s32 @p1 $0x1;
	p0 =	seq.s32 s7, s2  }
0x1e: {  	s7 =	smul.u32 @!p0 $0xF7A, s2;
	p2 =	seq.s32 @!p0 s5, $0x0  }
0x1f: {  	s9 =	smul.u32 $0xF7A, s1;
	s8 =	simm.s32 @!p0 $0x1BF5;
	p2 =	por !p2, p0  }
0x20: {  	[sflag:s8] =	ssyncset.s32 @!p0 $0xFFFFF086;
	s6 =	sadd.s32 @!p0 s3, s7;
	s7 =	simm.s32 @!p0 $0x108  }
0x21: {  	s3 =	sadd.s32 s3, s9;
	s6 =	sadd.s32 @!p0 $0x88, s6;
	s7 =	simm.s32 @p2 $0x1082  }
0x22: {  	[simem:s7], [sflag:s8] =	dma.local @!p0 [hbm:s6], $0xF7A  }
0x23: {  	s9 =	sor.u32 $0xD0000000, s2;
	s6 =	simm.s32 $0x108;
	_ =	swait.ge @!p0 [sflag:s8], $0x0  }
0x24: {  	s3 =	sadd.s32 $0x88, s3;
	s6 =	simm.s32 @!p1 $0x1082;
	[sflag:s4] =	ssyncset.s32 $0xFFFFF086  }
0x25: {  	[simem:s6], [sflag:s4] =	dma.local [hbm:s3], $0xF7A  }
0x26: {  	[smem:$0x3F93] =	sst s1;
	(tag) =	ssettag s2;
	_ =	strace s9  }
0x27: {  	s1 =	sld [smem:$0x3FA3]  }
0x28: {  	s2 =	sld [smem:$0x3FA4]  }
0x29: {  	s4 =	sld [smem:$0x3FA6]  }
0x2a: {  	p0 =	seq.s32 s5, $0x0;
	s5 =	sld [smem:$0x3FA7]  }
0x2b: {  	s6 =	sld [smem:$0x3FA8]  }
0x2c: {  	s7 =	sld [smem:$0x3FA9]  }
0x2d: {  	s3 =	simm.s32 $0x108;
	s8 =	sld [smem:$0x3FAA]  }
0x2e: {  	s3 =	simm.s32 @!p0 $0x1082;
	s9 =	sld [smem:$0x3FAB]  }
0x2f: {  	lr =	sadd.s32 s0, s3;
	s0 =	sld [smem:$0x3FA2]  }
0x30: {  	s3 =	sld [smem:$0x3FA5]  }
0x31: {  	[smem:$0x3FAE] =	sst s10  }
0x32: {  	s10 =	sld [smem:$0x3FAC];
	_ =	sdelay $0x3  }
0x33: {  	p0 =	seq.s32 s10, $0x1;
	s10 =	sld [smem:$0x3FAE];
	_ =	sdelay $0x3  }
0x34: {  	[smem:$0x3FAE] =	sst s10  }
0x35: {  	s10 =	sld [smem:$0x3FAD];
	_ =	sdelay $0x3  }
0x36: {  	p1 =	seq.s32 s10, $0x1;
	s10 =	sld [smem:$0x3FAE];
	_ =	sdelay $0x3  }
0x37: {  	[smem:$0x3FAE] =	sst s10  }
0x38: {  	s10 =	sld [smem:$0x3FAF]  }
0x39: {  	_ = 	snop;
	(pc) =	sbr.ind lr, $3  }
0x3a: {  	_ = 	snop  }
0x3b: {  	_ = 	snop  }
0x3c: {  	p2 =	seq.s32 s10, $0x1;
	s10 =	sld [smem:$0x3FAE]  }
0x3d: {  	_ =	shalt  }
0x3e: {  	_ =	shalt  }
0x3f: {  	_ =	shalt  }
0x40: {  	_ =	shalt  }
0x41: {  	_ =	shalt  }
0x42: {  	_ =	shalt  }
0x43: {  	_ =	shalt  }
0x44: {  	_ =	shalt  }
0x45: {  	_ =	shalt  }
0x46: {  	_ =	shalt  }
0x47: {  	_ =	shalt  }
0x48: {  	_ =	shalt  }
0x49: {  	_ =	shalt  }
0x4a: {  	_ =	shalt  }
0x4b: {  	_ =	shalt  }
0x4c: {  	_ =	shalt  }
0x4d: {  	_ =	shalt  }
0x4e: {  	_ =	shalt  }
0x4f: {  	_ =	shalt  }
0x50: {  	_ =	shalt  }
0x51: {  	_ =	shalt  }
0x52: {  	_ =	shalt  }
0x53: {  	_ =	shalt  }
0x54: {  	_ =	shalt  }
0x55: {  	_ =	shalt  }
0x56: {  	_ =	shalt  }
0x57: {  	_ =	shalt  }
0x58: {  	_ =	shalt  }
0x59: {  	_ =	shalt  }
0x5a: {  	_ =	shalt  }
0x5b: {  	_ =	shalt  }
0x5c: {  	_ =	shalt  }
0x5d: {  	_ =	shalt  }
0x5e: {  	_ =	shalt  }
0x5f: {  	_ =	shalt  }
0x60: {  	_ =	shalt  }
0x61: {  	_ =	shalt  }
0x62: {  	_ =	shalt  }
0x63: {  	_ =	shalt  }
0x64: {  	_ =	shalt  }
0x65: {  	_ =	shalt  }
0x66: {  	_ =	shalt  }
0x67: {  	_ =	shalt  }
0x68: {  	_ =	shalt  }
0x69: {  	_ =	shalt  }
0x6a: {  	_ =	shalt  }
0x6b: {  	_ =	shalt  }
0x6c: {  	_ =	shalt  }
0x6d: {  	_ =	shalt  }
0x6e: {  	_ =	shalt  }
0x6f: {  	_ =	shalt  }
0x70: {  	_ =	shalt  }
0x71: {  	_ =	shalt  }
0x72: {  	_ =	shalt  }
0x73: {  	_ =	shalt  }
0x74: {  	_ =	shalt  }
0x75: {  	_ =	shalt  }
0x76: {  	_ =	shalt  }
0x77: {  	_ =	shalt  }
0x78: {  	_ =	shalt  }
0x79: {  	_ =	shalt  }
0x7a: {  	_ =	shalt  }
0x7b: {  	_ =	shalt  }
0x7c: {  	_ =	shalt  }
0x7d: {  	_ =	shalt  }
0x7e: {  	_ =	shalt  }
0x7f: {  	_ =	shalt  }
0x80: {  	_ =	shalt  }
0x81: {  	_ =	shalt  }
0x82: {  	_ =	shalt  }
0x83: {  	_ =	shalt  }
0x84: {  	_ =	shalt  }
0x85: {  	_ =	shalt  }
0x86: {  	_ =	shalt  }
0x87: {  	_ =	shalt  }
.Lfunc_end0:
.L_simem_size_0:
called_computation_lowered:
.L_overlay_start_0:
0x88: {  	s2 =	sld [smem:$0x3FD9]  }
0x89: {  	s3 =	sld [smem:$0x3FFE];
	_ =	sdelay $0x1  }
0x8a: {  	s1 =	srdreg.scid  }
0x8b: {  	s0 =	sand.u32 $0x1, s1  }
0x8c: {  	s17 =	sshll.u32 s0, $0xA;
	s2 =	sadd.s32 s3, s2  }
0x8d: {  	s2 =	sadd.s32 s2, s17  }
0x8e: {  	[smem:$0x3FBA] =	sst s2  }
0x8f: {  	_ = 	snop  }
0x90: {  	s2 =	sld [smem:$0x3FD0];
	(tm) =	ssettm $0x1  }
0x91: {  	s18 =	sld [smem:$0x3FFB];
	_ =	sdelay $0x3  }
0x92: {  	_ =	strace s18  }
0x93: {  	s3 =	sld [smem:$0x3FFC];
	_ =	sdelay $0x3  }
0x94: {  	_ =	strace s3  }
0x95: {  	s3 =	sld [smem:$0x3FFD];
	_ =	sdelay $0x3  }
0x96: {  	_ =	strace s3  }
0x97: {  	_ =	strace $0x8FFFFFFF  }
0x98: {  	s19 =	sld [smem:$0x3FDB];
	_ =	sdelay $0x1  }
0x99: {  	s4 =	simm.s32 $_scs_section_size  }
0x9a: {  	s5 =	simm.s32 $_size__tile_overlayer_lowered;
	s6 =	simm.s32 $_tile_overlayer_lowered  }
0x9b: {  	s22 =	simm.s32 $0x1BFF;
	s21 =	sshll.u32 s6, $0x1;
	s3 =	sadd.s32 s4, s19  }
0x9c: {  	s7 =	simm.s32 $0x0;
	s20 =	sshll.u32 s5, $0x1;
	s5 =	sadd.s32 s21, s3  }
0x9d: {  	[timem:s7], [sflag:s22] =	dma.local [hbm:s5], s20  }
0x9e: {  	_ =	swait.ge [sflag:s22], s20  }
0x9f: {  	s4 =	ssub.s32 $0x0, s20;
	[sflag:s22] =	ssyncset.done $0x0  }
0xa0: {  	[sflag:s22] =	ssyncadd.s32 s4;
	_ =	sdelay $0x1  }
0xa1: {  	s23 =	simm.s32 $0x1B8B  }
0xa2: {  	_ =	swait.ge [sflag:s23], $0x1  }
0xa3: {  	[sflag:s23] =	ssyncset.done $0x0  }
0xa4: {  	s25 =	simm.s32 $0x1B8E;
	s24 =	sld [smem:$0x3FFE];
	[sflag:s23] =	ssyncadd.s32 $0xFFFFFFFF  }
0xa5: {  	s26 =	simm.s32 $execute0_lowered;
	[smem:$0x3FD2] =	sst s25  }
0xa6: {  	s5 =	sshll.u32 s26, $0x1;
	_ =	strace $0x80000046;
	[dreg:$0x1] =	wrdreg $0xFFFFFFFF  }
0xa7: {  	s28 =	simm.s32 $_size_execute0_lowered;
	s3 =	sadd.s32 s3, s5;
	[dreg:$0x0] =	wrdreg $0x0  }
0xa8: {  	s5 =	sshll.u32 s28, $0x1;
	[dreg:$0x2] =	wrdreg s3  }
0xa9: {  	[dreg:$0x3] =	wrdreg s5  }
0xaa: {  	[dreg:$0x4] =	wrdreg $0xC0  }
0xab: {  	_ =	task [dreg:s7], $0x5FFFF  }
0xac: {  	[dreg:$0x1] =	wrdreg $0xFFFFFFFF  }
0xad: {  	[dreg:$0x0] =	wrdreg $0x60  }
0xae: {  	[dreg:$0x2] =	wrdreg s24  }
0xaf: {  	[dreg:$0x3] =	wrdreg s2  }
0xb0: {  	[dreg:$0x4] =	wrdreg $0x9  }
0xb1: {  	_ =	task.clear_ibuf [dreg:s7], $0x5FFFF;
	_ =	strace $0x90000046  }
0xb2: {  	s29 =	simm.s32 $0x9;
	_ =	strace $0x80000048  }
0xb3: {  	_ =	swait.ge [sflag:s29], $0x1  }
0xb4: {  	[sflag:s29] =	ssyncadd.s32 $0xFFFFFFFF  }
0xb5: {  	_ =	strace $0x90000048  }
0xb6: {  	_ =	sfence  }
0xb7: {  	s30 =	sld [smem:$0x0];
	_ =	sdelay $0x2  }
0xb8: {  	s31 =	sshll.u32 s1, $0xD;
	s1 =	sshrl.u32 s1, $0x2  }
0xb9: {  	s3 =	sand.u32 $0x4000, s31;
	s1 =	sadd.s32 s1, s30  }
0xba: {  	s0 =	sor.u32 s3, s0;
	s1 =	sshll.u32 s1, $0x11  }
0xbb: {  	s0 =	sor.u32 s1, s0  }
0xbc: {  	s0 =	sadd.s32 $0x8F2B, s0  }
0xbd: {  	[sflag:s0] =	ssyncadd.remote.s32 $0x1  }
0xbe: {  	_ =	sfence.sel $0xFFFF  }
0xbf: {  	[dreg:$0x0] =	wrdreg $0xFFFFFFFF;
	(pc) =	sbr.abs _section_cstart, $3  }
0xc0: {  	[dreg:$0x1] =	wrdreg $0xFFFFFFFF  }
0xc1: {  	_ =	task.clear_ibuf [dreg:s7], $0x2FFFF;
	_ =	strace $0x9FFFFFFF  }
0xc2: {  	(tm) =	ssettm $0x7FFFFFFF  }
0xc3: {  	_ =	shalt  }
tec
execute0_lowered:
.L_overlay_start_1:
0x0: {  	(tag) =	ssettag $0x1  }
0x1: {  	s1 =	srdreg.scid  }
0x2: {  	s0 =	stileid.u32;
	s3 =	rddreg [dreg:$0x0]  }
0x3: {  	s5 =	rddreg [dreg:$0x1];
	s19 =	simm.s32 $0x900;
	s20 =	simm.s32 $0x1100  }
0x4: {  	s21 =	simm.s32 $0x1900;
	s23 =	simm.s32 $0x2100;
	s24 =	simm.s32 $0x2900  }
0x5: {  	s25 =	simm.s32 $0x3100;
	s26 =	simm.s32 $0x3900;
	s8 =	simm.s32 $0x4900  }
0x6: {  	s9 =	simm.s32 $0x5100;
	s10 =	simm.s32 $0x5900;
	s11 =	simm.s32 $0x6100  }
0x7: {  	s12 =	simm.s32 $0x6900;
	s13 =	simm.s32 $0x7100;
	s14 =	simm.s32 $0x7900  }
0x8: {  	s15 =	simm.s32 $0x8100;
	s16 =	simm.s32 $0x8900;
	s1 =	sand.u32 $0x1, s1  }
0x9: {  	s17 =	simm.s32 $0x9100;
	s2 =	sshll.u32 s0, $0x9;
	s4 =	sshll.u32 s1, $0x8  }
0xa: {  	s18 =	simm.s32 $0x9900;
	s4 =	sor.u32 s4, s2;
	s2 =	simm.s32 $0x0  }
0xb: {  	s28 =	simm.s32 $0xE100;
	s29 =	simm.s32 $0xE900;
	[smem:$0x7FF] =	sst s2  }
0xc: {  	s30 =	simm.s32 $0xF100;
	_ =	strace $0x80000047;
	[dreg:$0x5] =	wrdreg s19  }
0xd: {  	s31 =	simm.s32 $0xF900;
	s1 =	ssub.s32 $0x2, s1;
	[dreg:$0x6] =	wrdreg s20  }
0xe: {  	s22 =	sshrl.u32 s1, $0x1;
	s6 =	sshrl.u32 s4, $0x3;
	[dreg:$0x7] =	wrdreg s21  }
0xf: {  	s4 =	sshll.u32 s4, $0x5;
	s1 =	ssub.s32 s1, s22;
	[dreg:$0x8] =	wrdreg s23  }
0x10: {  	s22 =	simm.s32 $0xB900;
	s6 =	sadd.s32 s6, s3;
	[dreg:$0x9] =	wrdreg s24  }
0x11: {  	s4 =	sadd.s32 s5, s4;
	s3 =	sadd.s32 $0x1200, s3;
	[dreg:$0xa] =	wrdreg s25  }
0x12: {  	s5 =	simm.s32 $0x2;
	[dreg:$0xb] =	wrdreg s26;
	s19 =	simm.s32 $0xA100  }
0x13: {  	s20 =	simm.s32 $0xA900;
	s21 =	simm.s32 $0xB100;
	s23 =	simm.s32 $0xC100  }
0x14: {  	v2 =	vlaneseq.u32;
	s24 =	simm.s32 $0xC900;
	s25 =	simm.s32 $0xD100;
	s26 =	simm.s32 $0xD900  }
0x15: {  	vm0 =	vmmov $0xffff;
	v1 =	vshrl.u32 v2, $0x3;
	s6 =	sadd.s32 $0x41200, s6;
	[dreg:$0x4] =	wrdreg s4;
	s4 =	smax.u32 s1, $0x1  }
0x16: {  	v0 =	vand.u32 $0x7, v2;
	v2 =	vor.u32 $0x8, v2;
	v1 =	vmul.u32 $0x8, v1;
	s1 =	simm.s32 $0x1;
	[dreg:$0x3] =	wrdreg s6;
	s6 =	simm.s32 $0x100  }
.LBB2_1:
0x17: {  	s0 =	rddreg [dreg:$0x3]  }
0x18: {  	[tilespmem:s2], [sflag:$0x2] =	stream.linear.gather [hbm4b:s0+s2], $0x100, $0x38;
	[tilespmem:$0x10100] =	vst v63  }
0x19: {  	_ =	swait.ge [sflag:s5], $0x100  }
0x1a: {  	[sflag:s5] =	ssyncset.done $0x0  }
0x1b: {  	[sflag:s5] =	ssyncadd.s32 $0xFFFFFF00  }
0x1c: {  	v3 =	vld [tilespmem:$0x0];
	_ =	sdelay $0x4  }
0x1d: {  	v4 =	vshll.u32 v3, $0x1  }
0x1e: {  	v3 =	vand.u32 $0x7, v3;
	v4 =	vand.u32 $0xFFFFFFF0, v4  }
0x1f: {  	v3 =	vor.u32 v3, v4  }
0x20: {  	v4 =	vperm.xlane v3, v0;
	_ =	sdelay $0x1  }
0x21: {  	v3 =	vperm.xlane v3, v2;
	v4 =	vadd.s32 v1, v4;
	_ =	sdelay $0x1  }
0x22: {  	v3 =	vadd.s32 v1, v3;
	_ =	sdelay $0x2  }
0x23: {  	[tilespmem:s6], [sflag:$0x1] =	stream.indirect_vreg.gather [hbm4b:s3+s2], $0x80, v4, vm0, $0xb8;
	[tilespmem:$0x10100] =	vst v63  }
0x24: {  	s7 =	rddreg [dreg:$0x5]  }
0x25: {  	[tilespmem:s7], [sflag:$0x1] =	stream.indirect_vreg.gather [hbm4b:s3+s2], $0x80, v3, vm0, $0xb8;
	[tilespmem:$0x10100] =	vst v63  }
0x26: {  	v3 =	vld [tilespmem:$0x10];
	_ =	sdelay $0x4  }
0x27: {  	v49 =	vshll.u32 v3, $0x1  }
0x28: {  	v3 =	vand.u32 $0x7, v3;
	v4 =	vand.u32 $0xFFFFFFF0, v49  }
0x29: {  	v3 =	vor.u32 v3, v4  }
0x2a: {  	v4 =	vperm.xlane v3, v0;
	_ =	sdelay $0x1  }
0x2b: {  	v3 =	vperm.xlane v3, v2;
	v4 =	vadd.s32 v1, v4;
	_ =	sdelay $0x1  }
0x2c: {  	v3 =	vadd.s32 v1, v3;
	_ =	sdelay $0x1  }
0x2d: {  	s0 =	rddreg [dreg:$0x6]  }
0x2e: {  	[tilespmem:s0], [sflag:$0x1] =	stream.indirect_vreg.gather [hbm4b:s3+s2], $0x80, v4, vm0, $0xb8;
	[tilespmem:$0x10100] =	vst v63  }
0x2f: {  	s7 =	rddreg [dreg:$0x7]  }
0x30: {  	[tilespmem:s7], [sflag:$0x1] =	stream.indirect_vreg.gather [hbm4b:s3+s2], $0x80, v3, vm0, $0xb8;
	[tilespmem:$0x10100] =	vst v63  }
0x31: {  	v3 =	vld [tilespmem:$0x20];
	_ =	sdelay $0x4  }
0x32: {  	v50 =	vshll.u32 v3, $0x1  }
0x33: {  	v3 =	vand.u32 $0x7, v3;
	v4 =	vand.u32 $0xFFFFFFF0, v50  }
0x34: {  	v3 =	vor.u32 v3, v4  }
0x35: {  	v4 =	vperm.xlane v3, v0;
	_ =	sdelay $0x1  }
0x36: {  	v3 =	vperm.xlane v3, v2;
	v4 =	vadd.s32 v1, v4;
	_ =	sdelay $0x1  }
0x37: {  	v3 =	vadd.s32 v1, v3;
	_ =	sdelay $0x1  }
0x38: {  	s0 =	rddreg [dreg:$0x8]  }
0x39: {  	[tilespmem:s0], [sflag:$0x1] =	stream.indirect_vreg.gather [hbm4b:s3+s2], $0x80, v4, vm0, $0xb8;
	[tilespmem:$0x10100] =	vst v63  }
0x3a: {  	s7 =	rddreg [dreg:$0x9]  }
0x3b: {  	[tilespmem:s7], [sflag:$0x1] =	stream.indirect_vreg.gather [hbm4b:s3+s2], $0x80, v3, vm0, $0xb8;
	[tilespmem:$0x10100] =	vst v63  }
0x3c: {  	v3 =	vld [tilespmem:$0x30];
	_ =	sdelay $0x4  }
0x3d: {  	v51 =	vshll.u32 v3, $0x1  }
0x3e: {  	v3 =	vand.u32 $0x7, v3;
	v4 =	vand.u32 $0xFFFFFFF0, v51  }
0x3f: {  	v3 =	vor.u32 v3, v4  }
0x40: {  	v4 =	vperm.xlane v3, v0;
	_ =	sdelay $0x1  }
0x41: {  	v3 =	vperm.xlane v3, v2;
	v4 =	vadd.s32 v1, v4;
	_ =	sdelay $0x1  }
0x42: {  	v3 =	vadd.s32 v1, v3;
	_ =	sdelay $0x1  }
0x43: {  	s0 =	rddreg [dreg:$0xa]  }
0x44: {  	[tilespmem:s0], [sflag:$0x1] =	stream.indirect_vreg.gather [hbm4b:s3+s2], $0x80, v4, vm0, $0xb8;
	[tilespmem:$0x10100] =	vst v63  }
0x45: {  	s7 =	rddreg [dreg:$0xb]  }
0x46: {  	[tilespmem:s7], [sflag:$0x1] =	stream.indirect_vreg.gather [hbm4b:s3+s2], $0x80, v3, vm0, $0xb8;
	[tilespmem:$0x10100] =	vst v63  }
0x47: {  	v3 =	vld [tilespmem:$0x40];
	_ =	sdelay $0x4  }
0x48: {  	v52 =	vshll.u32 v3, $0x1  }
0x49: {  	v3 =	vand.u32 $0x7, v3;
	v4 =	vand.u32 $0xFFFFFFF0, v52  }
0x4a: {  	v3 =	vor.u32 v3, v4  }
0x4b: {  	v4 =	vperm.xlane v3, v0;
	_ =	sdelay $0x1  }
0x4c: {  	v3 =	vperm.xlane v3, v2;
	v4 =	vadd.s32 v1, v4;
	_ =	sdelay $0x1  }
0x4d: {  	v3 =	vadd.s32 v1, v3;
	_ =	sdelay $0x1  }
0x4e: {  	s7 =	simm.s32 $0x4100  }
0x4f: {  	[tilespmem:s7], [sflag:$0x1] =	stream.indirect_vreg.gather [hbm4b:s3+s2], $0x80, v4, vm0, $0xb8;
	[tilespmem:$0x10100] =	vst v63  }
0x50: {  	_ = 	snop  }
0x51: {  	[tilespmem:s8], [sflag:$0x1] =	stream.indirect_vreg.gather [hbm4b:s3+s2], $0x80, v3, vm0, $0xb8;
	[tilespmem:$0x10100] =	vst v63  }
0x52: {  	v3 =	vld [tilespmem:$0x50];
	_ =	sdelay $0x4  }
0x53: {  	v53 =	vshll.u32 v3, $0x1  }
0x54: {  	v3 =	vand.u32 $0x7, v3;
	v4 =	vand.u32 $0xFFFFFFF0, v53  }
0x55: {  	v3 =	vor.u32 v3, v4  }
0x56: {  	v4 =	vperm.xlane v3, v0;
	_ =	sdelay $0x1  }
0x57: {  	v3 =	vperm.xlane v3, v2;
	v4 =	vadd.s32 v1, v4;
	_ =	sdelay $0x1  }
0x58: {  	v3 =	vadd.s32 v1, v3;
	_ =	sdelay $0x2  }
0x59: {  	[tilespmem:s9], [sflag:$0x1] =	stream.indirect_vreg.gather [hbm4b:s3+s2], $0x80, v4, vm0, $0xb8;
	[tilespmem:$0x10100] =	vst v63  }
0x5a: {  	_ = 	snop  }
0x5b: {  	[tilespmem:s10], [sflag:$0x1] =	stream.indirect_vreg.gather [hbm4b:s3+s2], $0x80, v3, vm0, $0xb8;
	[tilespmem:$0x10100] =	vst v63  }
0x5c: {  	v3 =	vld [tilespmem:$0x60];
	_ =	sdelay $0x4  }
0x5d: {  	v54 =	vshll.u32 v3, $0x1  }
0x5e: {  	v3 =	vand.u32 $0x7, v3;
	v4 =	vand.u32 $0xFFFFFFF0, v54  }
0x5f: {  	v3 =	vor.u32 v3, v4  }
0x60: {  	v4 =	vperm.xlane v3, v0;
	_ =	sdelay $0x1  }
0x61: {  	v3 =	vperm.xlane v3, v2;
	v4 =	vadd.s32 v1, v4;
	_ =	sdelay $0x1  }
0x62: {  	v3 =	vadd.s32 v1, v3;
	_ =	sdelay $0x2  }
0x63: {  	[tilespmem:s11], [sflag:$0x1] =	stream.indirect_vreg.gather [hbm4b:s3+s2], $0x80, v4, vm0, $0xb8;
	[tilespmem:$0x10100] =	vst v63  }
0x64: {  	_ = 	snop  }
0x65: {  	[tilespmem:s12], [sflag:$0x1] =	stream.indirect_vreg.gather [hbm4b:s3+s2], $0x80, v3, vm0, $0xb8;
	[tilespmem:$0x10100] =	vst v63  }
0x66: {  	v3 =	vld [tilespmem:$0x70];
	_ =	sdelay $0x4  }
0x67: {  	v55 =	vshll.u32 v3, $0x1  }
0x68: {  	v3 =	vand.u32 $0x7, v3;
	v4 =	vand.u32 $0xFFFFFFF0, v55  }
0x69: {  	v3 =	vor.u32 v3, v4  }
0x6a: {  	v4 =	vperm.xlane v3, v0;
	_ =	sdelay $0x1  }
0x6b: {  	v3 =	vperm.xlane v3, v2;
	v4 =	vadd.s32 v1, v4;
	_ =	sdelay $0x1  }
0x6c: {  	v3 =	vadd.s32 v1, v3;
	_ =	sdelay $0x2  }
0x6d: {  	[tilespmem:s13], [sflag:$0x1] =	stream.indirect_vreg.gather [hbm4b:s3+s2], $0x80, v4, vm0, $0xb8;
	[tilespmem:$0x10100] =	vst v63  }
0x6e: {  	_ = 	snop  }
0x6f: {  	[tilespmem:s14], [sflag:$0x1] =	stream.indirect_vreg.gather [hbm4b:s3+s2], $0x80, v3, vm0, $0xb8;
	[tilespmem:$0x10100] =	vst v63  }
0x70: {  	v3 =	vld [tilespmem:$0x80];
	_ =	sdelay $0x4  }
0x71: {  	v56 =	vshll.u32 v3, $0x1  }
0x72: {  	v3 =	vand.u32 $0x7, v3;
	v4 =	vand.u32 $0xFFFFFFF0, v56  }
0x73: {  	v3 =	vor.u32 v3, v4  }
0x74: {  	v4 =	vperm.xlane v3, v0;
	_ =	sdelay $0x1  }
0x75: {  	v3 =	vperm.xlane v3, v2;
	v4 =	vadd.s32 v1, v4;
	_ =	sdelay $0x1  }
0x76: {  	v3 =	vadd.s32 v1, v3;
	_ =	sdelay $0x2  }
0x77: {  	[tilespmem:s15], [sflag:$0x1] =	stream.indirect_vreg.gather [hbm4b:s3+s2], $0x80, v4, vm0, $0xb8;
	[tilespmem:$0x10100] =	vst v63  }
0x78: {  	_ = 	snop  }
0x79: {  	[tilespmem:s16], [sflag:$0x1] =	stream.indirect_vreg.gather [hbm4b:s3+s2], $0x80, v3, vm0, $0xb8;
	[tilespmem:$0x10100] =	vst v63  }
0x7a: {  	v3 =	vld [tilespmem:$0x90];
	_ =	sdelay $0x4  }
0x7b: {  	v57 =	vshll.u32 v3, $0x1  }
0x7c: {  	v3 =	vand.u32 $0x7, v3;
	v4 =	vand.u32 $0xFFFFFFF0, v57  }
0x7d: {  	v3 =	vor.u32 v3, v4  }
0x7e: {  	v4 =	vperm.xlane v3, v0;
	_ =	sdelay $0x1  }
0x7f: {  	v3 =	vperm.xlane v3, v2;
	v4 =	vadd.s32 v1, v4;
	_ =	sdelay $0x1  }
0x80: {  	v3 =	vadd.s32 v1, v3;
	_ =	sdelay $0x2  }
0x81: {  	[tilespmem:s17], [sflag:$0x1] =	stream.indirect_vreg.gather [hbm4b:s3+s2], $0x80, v4, vm0, $0xb8;
	[tilespmem:$0x10100] =	vst v63  }
0x82: {  	_ = 	snop  }
0x83: {  	[tilespmem:s18], [sflag:$0x1] =	stream.indirect_vreg.gather [hbm4b:s3+s2], $0x80, v3, vm0, $0xb8;
	[tilespmem:$0x10100] =	vst v63  }
0x84: {  	v3 =	vld [tilespmem:$0xA0];
	_ =	sdelay $0x4  }
0x85: {  	v58 =	vshll.u32 v3, $0x1  }
0x86: {  	v3 =	vand.u32 $0x7, v3;
	v4 =	vand.u32 $0xFFFFFFF0, v58  }
0x87: {  	v3 =	vor.u32 v3, v4  }
0x88: {  	v4 =	vperm.xlane v3, v0;
	_ =	sdelay $0x1  }
0x89: {  	v3 =	vperm.xlane v3, v2;
	v4 =	vadd.s32 v1, v4;
	_ =	sdelay $0x1  }
0x8a: {  	v3 =	vadd.s32 v1, v3;
	_ =	sdelay $0x2  }
0x8b: {  	[tilespmem:s19], [sflag:$0x1] =	stream.indirect_vreg.gather [hbm4b:s3+s2], $0x80, v4, vm0, $0xb8;
	[tilespmem:$0x10100] =	vst v63  }
0x8c: {  	_ = 	snop  }
0x8d: {  	[tilespmem:s20], [sflag:$0x1] =	stream.indirect_vreg.gather [hbm4b:s3+s2], $0x80, v3, vm0, $0xb8;
	[tilespmem:$0x10100] =	vst v63  }
0x8e: {  	v3 =	vld [tilespmem:$0xB0];
	_ =	sdelay $0x4  }
0x8f: {  	v59 =	vshll.u32 v3, $0x1  }
0x90: {  	v3 =	vand.u32 $0x7, v3;
	v4 =	vand.u32 $0xFFFFFFF0, v59  }
0x91: {  	v3 =	vor.u32 v3, v4  }
0x92: {  	v4 =	vperm.xlane v3, v0;
	_ =	sdelay $0x1  }
0x93: {  	v3 =	vperm.xlane v3, v2;
	v4 =	vadd.s32 v1, v4;
	_ =	sdelay $0x1  }
0x94: {  	v3 =	vadd.s32 v1, v3;
	_ =	sdelay $0x2  }
0x95: {  	[tilespmem:s21], [sflag:$0x1] =	stream.indirect_vreg.gather [hbm4b:s3+s2], $0x80, v4, vm0, $0xb8;
	[tilespmem:$0x10100] =	vst v63  }
0x96: {  	_ = 	snop  }
0x97: {  	[tilespmem:s22], [sflag:$0x1] =	stream.indirect_vreg.gather [hbm4b:s3+s2], $0x80, v3, vm0, $0xb8;
	[tilespmem:$0x10100] =	vst v63  }
0x98: {  	v3 =	vld [tilespmem:$0xC0];
	_ =	sdelay $0x4  }
0x99: {  	v60 =	vshll.u32 v3, $0x1  }
0x9a: {  	v3 =	vand.u32 $0x7, v3;
	v4 =	vand.u32 $0xFFFFFFF0, v60  }
0x9b: {  	v3 =	vor.u32 v3, v4  }
0x9c: {  	v4 =	vperm.xlane v3, v0;
	_ =	sdelay $0x1  }
0x9d: {  	v3 =	vperm.xlane v3, v2;
	v4 =	vadd.s32 v1, v4;
	_ =	sdelay $0x1  }
0x9e: {  	v3 =	vadd.s32 v1, v3;
	_ =	sdelay $0x2  }
0x9f: {  	[tilespmem:s23], [sflag:$0x1] =	stream.indirect_vreg.gather [hbm4b:s3+s2], $0x80, v4, vm0, $0xb8;
	[tilespmem:$0x10100] =	vst v63  }
0xa0: {  	_ = 	snop  }
0xa1: {  	[tilespmem:s24], [sflag:$0x1] =	stream.indirect_vreg.gather [hbm4b:s3+s2], $0x80, v3, vm0, $0xb8;
	[tilespmem:$0x10100] =	vst v63  }
0xa2: {  	v3 =	vld [tilespmem:$0xD0];
	_ =	sdelay $0x4  }
0xa3: {  	v61 =	vshll.u32 v3, $0x1  }
0xa4: {  	v3 =	vand.u32 $0x7, v3;
	v4 =	vand.u32 $0xFFFFFFF0, v61  }
0xa5: {  	v3 =	vor.u32 v3, v4  }
0xa6: {  	v4 =	vperm.xlane v3, v0;
	_ =	sdelay $0x1  }
0xa7: {  	v3 =	vperm.xlane v3, v2;
	v4 =	vadd.s32 v1, v4;
	_ =	sdelay $0x1  }
0xa8: {  	v3 =	vadd.s32 v1, v3;
	_ =	sdelay $0x2  }
0xa9: {  	[tilespmem:s25], [sflag:$0x1] =	stream.indirect_vreg.gather [hbm4b:s3+s2], $0x80, v4, vm0, $0xb8;
	[tilespmem:$0x10100] =	vst v63  }
0xaa: {  	_ = 	snop  }
0xab: {  	[tilespmem:s26], [sflag:$0x1] =	stream.indirect_vreg.gather [hbm4b:s3+s2], $0x80, v3, vm0, $0xb8;
	[tilespmem:$0x10100] =	vst v63  }
0xac: {  	v3 =	vld [tilespmem:$0xE0];
	_ =	sdelay $0x4  }
0xad: {  	v62 =	vshll.u32 v3, $0x1  }
0xae: {  	v3 =	vand.u32 $0x7, v3;
	v4 =	vand.u32 $0xFFFFFFF0, v62  }
0xaf: {  	v3 =	vor.u32 v3, v4  }
0xb0: {  	v4 =	vperm.xlane v3, v0;
	_ =	sdelay $0x1  }
0xb1: {  	v3 =	vperm.xlane v3, v2;
	v4 =	vadd.s32 v1, v4;
	_ =	sdelay $0x1  }
0xb2: {  	v3 =	vadd.s32 v1, v3;
	_ =	sdelay $0x2  }
0xb3: {  	[tilespmem:s28], [sflag:$0x1] =	stream.indirect_vreg.gather [hbm4b:s3+s2], $0x80, v4, vm0, $0xb8;
	[tilespmem:$0x10100] =	vst v63  }
0xb4: {  	_ = 	snop  }
0xb5: {  	[tilespmem:s29], [sflag:$0x1] =	stream.indirect_vreg.gather [hbm4b:s3+s2], $0x80, v3, vm0, $0xb8;
	[tilespmem:$0x10100] =	vst v63  }
0xb6: {  	v3 =	vld [tilespmem:$0xF0];
	_ =	sdelay $0x4  }
0xb7: {  	v63 =	vshll.u32 v3, $0x1  }
0xb8: {  	v3 =	vand.u32 $0x7, v3;
	v4 =	vand.u32 $0xFFFFFFF0, v63  }
0xb9: {  	v3 =	vor.u32 v3, v4  }
0xba: {  	v4 =	vperm.xlane v3, v0;
	_ =	sdelay $0x1  }
0xbb: {  	v3 =	vperm.xlane v3, v2;
	v4 =	vadd.s32 v1, v4;
	_ =	sdelay $0x1  }
0xbc: {  	v3 =	vadd.s32 v1, v3;
	_ =	sdelay $0x2  }
0xbd: {  	[tilespmem:s30], [sflag:$0x1] =	stream.indirect_vreg.gather [hbm4b:s3+s2], $0x80, v4, vm0, $0xb8;
	[tilespmem:$0x10100] =	vst v63  }
0xbe: {  	_ = 	snop  }
0xbf: {  	[tilespmem:s31], [sflag:$0x1] =	stream.indirect_vreg.gather [hbm4b:s3+s2], $0x80, v3, vm0, $0xb8;
	[tilespmem:$0x10100] =	vst v63  }
0xc0: {  	_ =	swait.ge [sflag:s1], $0x8000  }
0xc1: {  	[sflag:s1] =	ssyncset.done $0x0  }
0xc2: {  	[sflag:s1] =	ssyncadd.s32 $0xFFFF8000  }
0xc3: {  	_ =	swait.ge [sflag:s1], $0x8000  }
0xc4: {  	p0 =	sne.s32 s4, $0x1;
	[sflag:s1] =	ssyncset.done $0x0  }
.Ltmp0:
0xc5: {  	s7 =	rddreg [dreg:$0x4];
	[sflag:s1] =	ssyncadd.s32 $0xFFFF8000;
	(pc) =	sbr.rel @p0 .LBB2_1-.Ltmp0, $4  }
0xc6: {  	[hbm4b:s7+s2] =	stream.linear.scatter [tilespmem:s6], [sflag:$0x2], $0x10000, $0x38;
	[tilespmem:$0x10100] =	vst v63  }
0xc7: {  	_ =	swait.ge [sflag:s5], $0x10000  }
0xc8: {  	[sflag:s5] =	ssyncset.done $0x0  }
0xc9: {  	s4 =	sadd.s32 $0xFFFFFFFF, s4;
	[sflag:s5] =	ssyncadd.s32 $0xFFFF0000  }
0xca: {  	_ =	sfence.sel $0x180000  }
0xcb: {  	[bflag:$0x0] =	sbarrier.arrive $0xFFFF  }
0xcc: {  	_ =	strace $0x90000047  }
0xcd: {  	s0 =	stileid.u32;
	[bflag:$0x2] =	sbarrier.arrive $0xFFFF  }
0xce: {  	p0 =	sne.s32 s0, $0x0;
	s0 =	rddreg [dreg:$0x2]  }
0xcf: {  	s0 =	sadd.s32 @!p0 $0x100000, s0  }
0xd0: {  	[sflag:s0] =	ssyncadd.tile.s32 @!p0 $0x1;
	_ =	shalt  }
.Lfunc_end2:
_tile_overlayer_lowered:
.L_overlay_start_2:
0xd1: {  	(tag) =	ssettag $0x2  }
0xd2: {  	s0 =	rddreg [dreg:$0x0];
	s2 =	stileid.u32  }
0xd3: {  	s1 =	rddreg [dreg:$0x1];
	p0 =	sne.s32 s2, $0x0  }
0xd4: {  	s3 =	rddreg [dreg:$0x2];
	[bflag:$0x3] =	sbarrier.arrive $0xFFFF;
	s2 =	simm.s32 @!p0 $0x1C02  }
0xd5: {  	[timem:s3], [sflag:s2] =	dma.local @!p0 [hbm:s0], s1  }
0xd6: {  	s0 =	simm.s32 @!p0 $0x2  }
0xd7: {  	_ =	swait.ge @!p0 [sflag:s0], s1  }
0xd8: {  	s1 =	ssub.s32 @!p0 $0x0, s1;
	[sflag:s0] =	ssyncset.done @!p0 $0x0  }
0xd9: {  	[sflag:s0] =	ssyncadd.s32 @!p0 s1  }
0xda: {  	[bflag:$0x3] =	sbarrier.arrive $0xFFFF  }
0xdb: {  	_ =	shalt  }

</sc_bundles>
